<compile_context>
chip_gen: v7x
topology: tpu7x:2x2x1
jax: 0.10.2.dev20260603
libtpu: 0.0.44.dev20260713+nightly
codegen_flags: <defaults>
</compile_context>

<pallas_src>
import functools

import jax
import jax.numpy as jnp
from jax import lax
from jax.experimental import pallas as pl
from jax.experimental.pallas import tpu as pltpu
from jax.experimental.pallas import tpu_sc as plsc

N_NODES = 10000
N_EDGES = 320000
D = 128
BN_EPS = 1e-5

NC = 2
NS = 16
CH = 40
EPT = N_EDGES // (NC * NS)
NCHUNK = EPT // CH

NZCH = N_NODES // CH
ZPT = -(-NZCH // NS)
ZCH = 80
NOCH = N_NODES // ZCH
OPT = -(-NOCH // NS)

NBUF = 6


def _sc_body(h_hbm, src_hbm, dst_hbm, out_hbm,
             src_v, dst_v, rows_v, acc_sh, gsem, ssem):
    c = lax.axis_index("c")
    s = lax.axis_index("s")
    zv = jnp.zeros((16,), jnp.float32)

    @pl.loop(0, CH)
    def _(r):
        for g in range(D // 16):
            rows_v[0, r, pl.ds(g * 16, 16)] = zv

    for z in range(ZPT):
        k = z * NS + s

        @pl.when(k < NZCH)
        def _():
            pltpu.sync_copy(rows_v.at[0], acc_sh.at[pl.ds(k * CH, CH)])

    plsc.subcore_barrier()
    pltpu.sync_copy(src_hbm.at[c, s], src_v)
    pltpu.sync_copy(dst_hbm.at[c, s], dst_v)

    for jp in range(NBUF):
        pltpu.async_copy(h_hbm.at[src_v.at[jp]], rows_v.at[jp],
                         gsem.at[jp])

    @pl.loop(0, NCHUNK, unroll=2)
    def _(j):
        b = lax.rem(j, NBUF)
        pltpu.make_async_copy(h_hbm.at[src_v.at[j]], rows_v.at[b],
                              gsem.at[b]).wait()
        pltpu.async_copy(rows_v.at[b], acc_sh.at[dst_v.at[j]], ssem,
                         add=True).wait()
        jn = j + NBUF

        @pl.when(jn < NCHUNK)
        def _():
            pltpu.async_copy(h_hbm.at[src_v.at[jn]], rows_v.at[b],
                             gsem.at[b])

    plsc.subcore_barrier()
    for z in range(OPT):
        k = z * NS + s

        @pl.when(k < NOCH)
        def _():
            pltpu.sync_copy(acc_sh.at[pl.ds(k * ZCH, ZCH)],
                            out_hbm.at[c, pl.ds(k * ZCH, ZCH)])


_sc_segment_sum = functools.partial(
    pl.kernel,
    out_type=jax.ShapeDtypeStruct((NC, N_NODES, D), jnp.float32),
    mesh=plsc.VectorSubcoreMesh(core_axis_name="c", subcore_axis_name="s"),
    scratch_types=[
        pltpu.VMEM((NCHUNK, CH), jnp.int32),
        pltpu.VMEM((NCHUNK, CH), jnp.int32),
        pltpu.VMEM((NBUF, CH, D), jnp.float32),
        pltpu.VMEM_SHARED((N_NODES, D), jnp.float32),
        pltpu.SemaphoreType.DMA((NBUF,)),
        pltpu.SemaphoreType.DMA,
    ],
    compiler_params=pltpu.CompilerParams(use_tc_tiling_on_sc=False),
)(_sc_body)


ROWS_BLK = 10000
NB = N_NODES // ROWS_BLK


def _bn_body(eps_s, h_ref, p_ref, g_ref, b_ref, out_ref, sum_acc, sq_acc):
    ph = pl.program_id(0)
    i = pl.program_id(1)
    x = h_ref[...] * (1.0 + eps_s[0, 0]) + p_ref[0] + p_ref[1]

    @pl.when(jnp.logical_and(ph == 0, i == 0))
    def _():
        sum_acc[...] = jnp.zeros_like(sum_acc)
        sq_acc[...] = jnp.zeros_like(sq_acc)

    @pl.when(ph == 0)
    def _():
        sum_acc[...] += jnp.sum(x, axis=0, keepdims=True)
        sq_acc[...] += jnp.sum(x * x, axis=0, keepdims=True)

    @pl.when(ph == 1)
    def _():
        mean = sum_acc[...] / N_NODES
        var = sq_acc[...] / N_NODES - mean * mean
        inv = lax.rsqrt(var + BN_EPS)
        out_ref[...] = h_ref[...] + (x - mean) * inv * g_ref[...] + b_ref[...]


def _bn_call(h, partials, gamma, beta, eps):
    return pl.pallas_call(
        _bn_body,
        grid=(2, NB),
        in_specs=[
            pl.BlockSpec((1, 1), lambda p, i: (0, 0), memory_space=pltpu.SMEM),
            pl.BlockSpec((ROWS_BLK, D), lambda p, i: (i, 0)),
            pl.BlockSpec((NC, ROWS_BLK, D), lambda p, i: (0, i, 0)),
            pl.BlockSpec((1, D), lambda p, i: (0, 0)),
            pl.BlockSpec((1, D), lambda p, i: (0, 0)),
        ],
        out_specs=pl.BlockSpec((ROWS_BLK, D), lambda p, i: (i, 0)),
        out_shape=jax.ShapeDtypeStruct((N_NODES, D), jnp.float32),
        scratch_shapes=[
            pltpu.VMEM((1, D), jnp.float32),
            pltpu.VMEM((1, D), jnp.float32),
        ],
    )(eps, h, partials, gamma, beta)


def kernel(h, edge_index, gamma, beta, eps):
    src = edge_index[0].astype(jnp.int32).reshape(NC, NS, NCHUNK, CH)
    dst = edge_index[1].astype(jnp.int32).reshape(NC, NS, NCHUNK, CH)
    partials = _sc_segment_sum(h, src, dst)
    eps32 = jnp.asarray(eps, jnp.float32).reshape(1, 1)
    return _bn_call(h, partials, gamma.reshape(1, D), beta.reshape(1, D), eps32)

# --- scband reference (transcript-rebuilt; emitter-appended) ---
"""Pipeline reference for scband-simple-ginlayer-72937134620847 (READ-ONLY COPY).

The authoritative reference and input builder live on the scoring server;
editing this copy changes nothing except your own understanding.
"""

import jax, jax.numpy as jnp
import numpy as np

N_NODES = 10000
N_EDGES = 320000
D = 128
BN_EPS = 1e-5


def setup_inputs(seed: int = 0) -> dict:
    key = jax.random.key(seed)
    k1, k2 = jax.random.split(key, 2)
    h = jax.random.normal(k1, (N_NODES, D), dtype=jnp.float32)
    edge_index = jax.random.randint(k2, (2, N_EDGES), 0, N_NODES)
    # learned BatchNorm1d parameters (affine weight/bias)
    gamma = jnp.ones((D,), dtype=jnp.float32)
    beta = jnp.zeros((D,), dtype=jnp.float32)
    # eps buffer (learn_eps=False, init_eps=0) -> non-trainable constant
    eps = jnp.asarray(0.0, dtype=jnp.float32)
    return {"h": h, "edge_index": edge_index, "gamma": gamma, "beta": beta, "eps": eps}


def reference(h, edge_index, gamma, beta, eps):
    h_in = h
    src = edge_index[0]
    dst = edge_index[1]
    # DGL update_all(fn.copy_u('h','m'), fn.sum('m','neigh')):
    # gather source features along edges, scatter-add into destination nodes
    messages = jnp.take(h, src, axis=0)
    neigh = jax.ops.segment_sum(messages, dst, num_segments=N_NODES)
    out = (1.0 + eps) * h + neigh
    # BatchNorm1d in training mode: normalize over the node (batch) dimension
    mean = jnp.mean(out, axis=0)
    var = jnp.var(out, axis=0)
    out = (out - mean) / jnp.sqrt(var + BN_EPS) * gamma + beta
    # residual (indim == outdim, residual=True)
    out = h_in + out
    return out

if __name__ == "__main__":
    import jax
    _d = setup_inputs()
    print(jax.jit(kernel)(*tuple(_d.values())))

</pallas_src>

<mosaic_0001>
#map = affine_map<(d0, d1) -> (0, 0)>
#map1 = affine_map<(d0, d1) -> (0, 0, 0, 0)>
#map2 = affine_map<(d0, d1) -> (0, 0, 0)>
module attributes {stable_mosaic.version = 14 : i64} {
  func.func @_sc_body(%arg0: i32, %arg1: i32, %arg2: memref<10000x128xf32, #tpu.memory_space<hbm>>, %arg3: memref<2x16x250x40xi32, #tpu.memory_space<hbm>>, %arg4: memref<2x16x250x40xi32, #tpu.memory_space<hbm>>, %arg5: memref<2x10000x128xf32, #tpu.memory_space<hbm>>, %arg6: memref<250x40xi32, #tpu.memory_space<vmem>>, %arg7: memref<250x40xi32, #tpu.memory_space<vmem>>, %arg8: memref<6x40x128xf32, #tpu.memory_space<vmem>>, %arg9: memref<10000x128xf32, #tpu.memory_space<vmem_shared>>, %arg10: memref<6x!tpu.dma_semaphore, #tpu.memory_space<semaphore_mem>>, %arg11: memref<!tpu.dma_semaphore, #tpu.memory_space<semaphore_mem>>) attributes {dimension_semantics = [#tpu.dimension_semantics<core_parallel>, #tpu.dimension_semantics<subcore_parallel>], iteration_bounds = array<i64: 2, 16>, scalar_prefetch = 0 : i64, scratch_operands = 6 : i64, tpu.core_type = #tpu.core_type<sc_vector_subcore>, window_params = [{transform_indices = #map}, {transform_indices = #map1}, {transform_indices = #map1}, {transform_indices = #map2}]} {
    %broadcast_in_dim3A = arith.constant 0.000000e+00 : f32
    %broadcast_in_dim3A_0 = vector.broadcast %broadcast_in_dim3A : f32 to vector<16xf32>
    %scan3A = arith.constant 0 : i32
    %scan3A_1 = arith.constant 40 : i32
    %scan3A_2 = arith.addi %scan3A, %scan3A_1 : i32
    %scan3A_3 = arith.constant 1 : i32
    scf.for %scan3A_264 = %scan3A to %scan3A_2 step %scan3A_3  : i32 {
      %mul3A = arith.constant 1 : i32
      %mul3A_265 = arith.muli %scan3A_264, %mul3A : i32
      %add3A_266 = arith.constant 0 : i32
      %add3A_267 = arith.addi %add3A_266, %mul3A_265 : i32
      %swap3A = arith.constant 0 : i32
      %swap3A_268 = arith.index_cast %swap3A : i32 to index
      %swap3A_269 = arith.index_cast %add3A_267 : i32 to index
      %swap3A_270 = arith.constant 0 : index
      %swap3A_271 = tpu.vector_load %arg8[%swap3A_268, %swap3A_269, %swap3A_270] {strides = array<i32>} : memref<6x40x128xf32, #tpu.memory_space<vmem>>, vector<1x1x16xf32>,
      %swap3A_272 = vector.shape_cast %swap3A_271 : vector<1x1x16xf32> to vector<16xf32>
      %swap3A_273 = vector.shape_cast %broadcast_in_dim3A_0 : vector<16xf32> to vector<1x1x16xf32>
      tpu.vector_store %arg8[%swap3A_268, %swap3A_269, %swap3A_270], %swap3A_273 {strides = array<i32>} : memref<6x40x128xf32, #tpu.memory_space<vmem>>, vector<1x1x16xf32>,
      %swap3A_274 = arith.constant 0 : i32
      %swap3A_275 = arith.index_cast %swap3A_274 : i32 to index
      %swap3A_276 = arith.index_cast %add3A_267 : i32 to index
      %swap3A_277 = arith.constant 16 : index
      %swap3A_278 = tpu.vector_load %arg8[%swap3A_275, %swap3A_276, %swap3A_277] {strides = array<i32>} : memref<6x40x128xf32, #tpu.memory_space<vmem>>, vector<1x1x16xf32>,
      %swap3A_279 = vector.shape_cast %swap3A_278 : vector<1x1x16xf32> to vector<16xf32>
      %swap3A_280 = vector.shape_cast %broadcast_in_dim3A_0 : vector<16xf32> to vector<1x1x16xf32>
      tpu.vector_store %arg8[%swap3A_275, %swap3A_276, %swap3A_277], %swap3A_280 {strides = array<i32>} : memref<6x40x128xf32, #tpu.memory_space<vmem>>, vector<1x1x16xf32>,
      %swap3A_281 = arith.constant 0 : i32
      %swap3A_282 = arith.index_cast %swap3A_281 : i32 to index
      %swap3A_283 = arith.index_cast %add3A_267 : i32 to index
      %swap3A_284 = arith.constant 32 : index
      %swap3A_285 = tpu.vector_load %arg8[%swap3A_282, %swap3A_283, %swap3A_284] {strides = array<i32>} : memref<6x40x128xf32, #tpu.memory_space<vmem>>, vector<1x1x16xf32>,
      %swap3A_286 = vector.shape_cast %swap3A_285 : vector<1x1x16xf32> to vector<16xf32>
      %swap3A_287 = vector.shape_cast %broadcast_in_dim3A_0 : vector<16xf32> to vector<1x1x16xf32>
      tpu.vector_store %arg8[%swap3A_282, %swap3A_283, %swap3A_284], %swap3A_287 {strides = array<i32>} : memref<6x40x128xf32, #tpu.memory_space<vmem>>, vector<1x1x16xf32>,
      %swap3A_288 = arith.constant 0 : i32
      %swap3A_289 = arith.index_cast %swap3A_288 : i32 to index
      %swap3A_290 = arith.index_cast %add3A_267 : i32 to index
      %swap3A_291 = arith.constant 48 : index
      %swap3A_292 = tpu.vector_load %arg8[%swap3A_289, %swap3A_290, %swap3A_291] {strides = array<i32>} : memref<6x40x128xf32, #tpu.memory_space<vmem>>, vector<1x1x16xf32>,
      %swap3A_293 = vector.shape_cast %swap3A_292 : vector<1x1x16xf32> to vector<16xf32>
      %swap3A_294 = vector.shape_cast %broadcast_in_dim3A_0 : vector<16xf32> to vector<1x1x16xf32>
      tpu.vector_store %arg8[%swap3A_289, %swap3A_290, %swap3A_291], %swap3A_294 {strides = array<i32>} : memref<6x40x128xf32, #tpu.memory_space<vmem>>, vector<1x1x16xf32>,
      %swap3A_295 = arith.constant 0 : i32
      %swap3A_296 = arith.index_cast %swap3A_295 : i32 to index
      %swap3A_297 = arith.index_cast %add3A_267 : i32 to index
      %swap3A_298 = arith.constant 64 : index
      %swap3A_299 = tpu.vector_load %arg8[%swap3A_296, %swap3A_297, %swap3A_298] {strides = array<i32>} : memref<6x40x128xf32, #tpu.memory_space<vmem>>, vector<1x1x16xf32>,
      %swap3A_300 = vector.shape_cast %swap3A_299 : vector<1x1x16xf32> to vector<16xf32>
      %swap3A_301 = vector.shape_cast %broadcast_in_dim3A_0 : vector<16xf32> to vector<1x1x16xf32>
      tpu.vector_store %arg8[%swap3A_296, %swap3A_297, %swap3A_298], %swap3A_301 {strides = array<i32>} : memref<6x40x128xf32, #tpu.memory_space<vmem>>, vector<1x1x16xf32>,
      %swap3A_302 = arith.constant 0 : i32
      %swap3A_303 = arith.index_cast %swap3A_302 : i32 to index
      %swap3A_304 = arith.index_cast %add3A_267 : i32 to index
      %swap3A_305 = arith.constant 80 : index
      %swap3A_306 = tpu.vector_load %arg8[%swap3A_303, %swap3A_304, %swap3A_305] {strides = array<i32>} : memref<6x40x128xf32, #tpu.memory_space<vmem>>, vector<1x1x16xf32>,
      %swap3A_307 = vector.shape_cast %swap3A_306 : vector<1x1x16xf32> to vector<16xf32>
      %swap3A_308 = vector.shape_cast %broadcast_in_dim3A_0 : vector<16xf32> to vector<1x1x16xf32>
      tpu.vector_store %arg8[%swap3A_303, %swap3A_304, %swap3A_305], %swap3A_308 {strides = array<i32>} : memref<6x40x128xf32, #tpu.memory_space<vmem>>, vector<1x1x16xf32>,
      %swap3A_309 = arith.constant 0 : i32
      %swap3A_310 = arith.index_cast %swap3A_309 : i32 to index
      %swap3A_311 = arith.index_cast %add3A_267 : i32 to index
      %swap3A_312 = arith.constant 96 : index
      %swap3A_313 = tpu.vector_load %arg8[%swap3A_310, %swap3A_311, %swap3A_312] {strides = array<i32>} : memref<6x40x128xf32, #tpu.memory_space<vmem>>, vector<1x1x16xf32>,
      %swap3A_314 = vector.shape_cast %swap3A_313 : vector<1x1x16xf32> to vector<16xf32>
      %swap3A_315 = vector.shape_cast %broadcast_in_dim3A_0 : vector<16xf32> to vector<1x1x16xf32>
      tpu.vector_store %arg8[%swap3A_310, %swap3A_311, %swap3A_312], %swap3A_315 {strides = array<i32>} : memref<6x40x128xf32, #tpu.memory_space<vmem>>, vector<1x1x16xf32>,
      %swap3A_316 = arith.constant 0 : i32
      %swap3A_317 = arith.index_cast %swap3A_316 : i32 to index
      %swap3A_318 = arith.index_cast %add3A_267 : i32 to index
      %swap3A_319 = arith.constant 112 : index
      %swap3A_320 = tpu.vector_load %arg8[%swap3A_317, %swap3A_318, %swap3A_319] {strides = array<i32>} : memref<6x40x128xf32, #tpu.memory_space<vmem>>, vector<1x1x16xf32>,
      %swap3A_321 = vector.shape_cast %swap3A_320 : vector<1x1x16xf32> to vector<16xf32>
      %swap3A_322 = vector.shape_cast %broadcast_in_dim3A_0 : vector<16xf32> to vector<1x1x16xf32>
      tpu.vector_store %arg8[%swap3A_317, %swap3A_318, %swap3A_319], %swap3A_322 {strides = array<i32>} : memref<6x40x128xf32, #tpu.memory_space<vmem>>, vector<1x1x16xf32>,
    }
    %scan3A_4 = arith.constant 40 : i32
    %add3A = arith.constant 0 : i32
    %add3A_5 = arith.addi %add3A, %arg1 : i32
    %lt3A = arith.constant 250 : i32
    %lt3A_6 = arith.cmpi slt, %add3A_5, %lt3A : i32
    %convert_element_type3A = arith.extui %lt3A_6 : i1 to i32
    %cond3A = arith.constant 0 : i32
    %cond3A_7 = arith.cmpi ne, %convert_element_type3A, %cond3A : i32
    scf.if %cond3A_7 {
      %mul3A = arith.constant 40 : i32
      %mul3A_264 = arith.muli %add3A_5, %mul3A : i32
      %run_scoped3A = arith.constant 0 : i32
      "tpu.region"() ({
        %run_scoped3A_265 = tpu.sem_alloc : memref<!tpu.dma_semaphore, #tpu.memory_space<semaphore_mem>>
        %dma_start3A_266 = arith.constant 0 : i32
        %dma_start3A_267 = arith.constant 0 : i32
        %dma_start3A_268 = tpu.memref_slice %arg8[%run_scoped3A, %dma_start3A_266, %dma_start3A_267] : memref<6x40x128xf32, #tpu.memory_space<vmem>> -> memref<1x40x128xf32, #tpu.memory_space<vmem>>
        %dma_start3A_269 = tpu.memref_squeeze %dma_start3A_268 : memref<1x40x128xf32, #tpu.memory_space<vmem>> -> memref<40x128xf32, #tpu.memory_space<vmem>>
        %dma_start3A_270 = arith.constant 0 : i32
        %dma_start3A_271 = tpu.memref_slice %arg9[%mul3A_264, %dma_start3A_270] : memref<10000x128xf32, #tpu.memory_space<vmem_shared>> -> memref<40x128xf32, #tpu.memory_space<vmem_shared>>
        %dma_start3A_272 = arith.constant 0 : i32
        %dma_start3A_273 = tpu.memref_slice %arg9[%mul3A_264, %dma_start3A_272] : memref<10000x128xf32, #tpu.memory_space<vmem_shared>> -> memref<40x128xf32, #tpu.memory_space<vmem_shared>>
        %dma_start3A_274 = arith.constant 0 : i32
        %dma_start3A_275 = arith.constant 0 : i32
        %dma_start3A_276 = tpu.memref_slice %arg8[%run_scoped3A, %dma_start3A_274, %dma_start3A_275] : memref<6x40x128xf32, #tpu.memory_space<vmem>> -> memref<1x40x128xf32, #tpu.memory_space<vmem>>
        %dma_start3A_277 = tpu.memref_squeeze %dma_start3A_276 : memref<1x40x128xf32, #tpu.memory_space<vmem>> -> memref<40x128xf32, #tpu.memory_space<vmem>>
        tpu.enqueue_dma source(%dma_start3A_277 : memref<40x128xf32, #tpu.memory_space<vmem>>) target(%dma_start3A_273 : memref<40x128xf32, #tpu.memory_space<vmem_shared>>) target_semaphore(%run_scoped3A_265 : memref<!tpu.dma_semaphore, #tpu.memory_space<semaphore_mem>>)
        %dma_wait3A = arith.constant 0 : i32
        %dma_wait3A_278 = arith.constant 0 : i32
        %dma_wait3A_279 = tpu.memref_slice %arg8[%run_scoped3A, %dma_wait3A, %dma_wait3A_278] : memref<6x40x128xf32, #tpu.memory_space<vmem>> -> memref<1x40x128xf32, #tpu.memory_space<vmem>>
        %dma_wait3A_280 = tpu.memref_squeeze %dma_wait3A_279 : memref<1x40x128xf32, #tpu.memory_space<vmem>> -> memref<40x128xf32, #tpu.memory_space<vmem>>
        %dma_wait3A_281 = arith.constant 0 : i32
        %dma_wait3A_282 = tpu.memref_slice %arg9[%mul3A_264, %dma_wait3A_281] : memref<10000x128xf32, #tpu.memory_space<vmem_shared>> -> memref<40x128xf32, #tpu.memory_space<vmem_shared>>
        %dma_wait3A_283 = arith.constant 0 : i32
        %dma_wait3A_284 = tpu.memref_slice %arg9[%mul3A_264, %dma_wait3A_283] : memref<10000x128xf32, #tpu.memory_space<vmem_shared>> -> memref<40x128xf32, #tpu.memory_space<vmem_shared>>
        %dma_wait3A_285 = arith.constant 0 : i32
        %dma_wait3A_286 = arith.constant 0 : i32
        %dma_wait3A_287 = tpu.memref_slice %arg8[%run_scoped3A, %dma_wait3A_285, %dma_wait3A_286] : memref<6x40x128xf32, #tpu.memory_space<vmem>> -> memref<1x40x128xf32, #tpu.memory_space<vmem>>
        %dma_wait3A_288 = tpu.memref_squeeze %dma_wait3A_287 : memref<1x40x128xf32, #tpu.memory_space<vmem>> -> memref<40x128xf32, #tpu.memory_space<vmem>>
        tpu.wait_dma2 semaphore(%run_scoped3A_265 : memref<!tpu.dma_semaphore, #tpu.memory_space<semaphore_mem>>) src(%dma_wait3A_288 : memref<40x128xf32, #tpu.memory_space<vmem>>) dst(%dma_wait3A_284 : memref<40x128xf32, #tpu.memory_space<vmem_shared>>)
        tpu.yield
      }) : () -> ()
    } else {
    }
    %add3A_8 = arith.constant 16 : i32
    %add3A_9 = arith.addi %add3A_8, %arg1 : i32
    %lt3A_10 = arith.constant 250 : i32
    %lt3A_11 = arith.cmpi slt, %add3A_9, %lt3A_10 : i32
    %convert_element_type3A_12 = arith.extui %lt3A_11 : i1 to i32
    %cond3A_13 = arith.constant 0 : i32
    %cond3A_14 = arith.cmpi ne, %convert_element_type3A_12, %cond3A_13 : i32
    scf.if %cond3A_14 {
      %mul3A = arith.constant 40 : i32
      %mul3A_264 = arith.muli %add3A_9, %mul3A : i32
      %run_scoped3A = arith.constant 0 : i32
      "tpu.region"() ({
        %run_scoped3A_265 = tpu.sem_alloc : memref<!tpu.dma_semaphore, #tpu.memory_space<semaphore_mem>>
        %dma_start3A_266 = arith.constant 0 : i32
        %dma_start3A_267 = arith.constant 0 : i32
        %dma_start3A_268 = tpu.memref_slice %arg8[%run_scoped3A, %dma_start3A_266, %dma_start3A_267] : memref<6x40x128xf32, #tpu.memory_space<vmem>> -> memref<1x40x128xf32, #tpu.memory_space<vmem>>
        %dma_start3A_269 = tpu.memref_squeeze %dma_start3A_268 : memref<1x40x128xf32, #tpu.memory_space<vmem>> -> memref<40x128xf32, #tpu.memory_space<vmem>>
        %dma_start3A_270 = arith.constant 0 : i32
        %dma_start3A_271 = tpu.memref_slice %arg9[%mul3A_264, %dma_start3A_270] : memref<10000x128xf32, #tpu.memory_space<vmem_shared>> -> memref<40x128xf32, #tpu.memory_space<vmem_shared>>
        %dma_start3A_272 = arith.constant 0 : i32
        %dma_start3A_273 = tpu.memref_slice %arg9[%mul3A_264, %dma_start3A_272] : memref<10000x128xf32, #tpu.memory_space<vmem_shared>> -> memref<40x128xf32, #tpu.memory_space<vmem_shared>>
        %dma_start3A_274 = arith.constant 0 : i32
        %dma_start3A_275 = arith.constant 0 : i32
        %dma_start3A_276 = tpu.memref_slice %arg8[%run_scoped3A, %dma_start3A_274, %dma_start3A_275] : memref<6x40x128xf32, #tpu.memory_space<vmem>> -> memref<1x40x128xf32, #tpu.memory_space<vmem>>
        %dma_start3A_277 = tpu.memref_squeeze %dma_start3A_276 : memref<1x40x128xf32, #tpu.memory_space<vmem>> -> memref<40x128xf32, #tpu.memory_space<vmem>>
        tpu.enqueue_dma source(%dma_start3A_277 : memref<40x128xf32, #tpu.memory_space<vmem>>) target(%dma_start3A_273 : memref<40x128xf32, #tpu.memory_space<vmem_shared>>) target_semaphore(%run_scoped3A_265 : memref<!tpu.dma_semaphore, #tpu.memory_space<semaphore_mem>>)
        %dma_wait3A = arith.constant 0 : i32
        %dma_wait3A_278 = arith.constant 0 : i32
        %dma_wait3A_279 = tpu.memref_slice %arg8[%run_scoped3A, %dma_wait3A, %dma_wait3A_278] : memref<6x40x128xf32, #tpu.memory_space<vmem>> -> memref<1x40x128xf32, #tpu.memory_space<vmem>>
        %dma_wait3A_280 = tpu.memref_squeeze %dma_wait3A_279 : memref<1x40x128xf32, #tpu.memory_space<vmem>> -> memref<40x128xf32, #tpu.memory_space<vmem>>
        %dma_wait3A_281 = arith.constant 0 : i32
        %dma_wait3A_282 = tpu.memref_slice %arg9[%mul3A_264, %dma_wait3A_281] : memref<10000x128xf32, #tpu.memory_space<vmem_shared>> -> memref<40x128xf32, #tpu.memory_space<vmem_shared>>
        %dma_wait3A_283 = arith.constant 0 : i32
        %dma_wait3A_284 = tpu.memref_slice %arg9[%mul3A_264, %dma_wait3A_283] : memref<10000x128xf32, #tpu.memory_space<vmem_shared>> -> memref<40x128xf32, #tpu.memory_space<vmem_shared>>
        %dma_wait3A_285 = arith.constant 0 : i32
        %dma_wait3A_286 = arith.constant 0 : i32
        %dma_wait3A_287 = tpu.memref_slice %arg8[%run_scoped3A, %dma_wait3A_285, %dma_wait3A_286] : memref<6x40x128xf32, #tpu.memory_space<vmem>> -> memref<1x40x128xf32, #tpu.memory_space<vmem>>
        %dma_wait3A_288 = tpu.memref_squeeze %dma_wait3A_287 : memref<1x40x128xf32, #tpu.memory_space<vmem>> -> memref<40x128xf32, #tpu.memory_space<vmem>>
        tpu.wait_dma2 semaphore(%run_scoped3A_265 : memref<!tpu.dma_semaphore, #tpu.memory_space<semaphore_mem>>) src(%dma_wait3A_288 : memref<40x128xf32, #tpu.memory_space<vmem>>) dst(%dma_wait3A_284 : memref<40x128xf32, #tpu.memory_space<vmem_shared>>)
        tpu.yield
      }) : () -> ()
    } else {
    }
    %add3A_15 = arith.constant 32 : i32
    %add3A_16 = arith.addi %add3A_15, %arg1 : i32
    %lt3A_17 = arith.constant 250 : i32
    %lt3A_18 = arith.cmpi slt, %add3A_16, %lt3A_17 : i32
    %convert_element_type3A_19 = arith.extui %lt3A_18 : i1 to i32
    %cond3A_20 = arith.constant 0 : i32
    %cond3A_21 = arith.cmpi ne, %convert_element_type3A_19, %cond3A_20 : i32
    scf.if %cond3A_21 {
      %mul3A = arith.constant 40 : i32
      %mul3A_264 = arith.muli %add3A_16, %mul3A : i32
      %run_scoped3A = arith.constant 0 : i32
      "tpu.region"() ({
        %run_scoped3A_265 = tpu.sem_alloc : memref<!tpu.dma_semaphore, #tpu.memory_space<semaphore_mem>>
        %dma_start3A_266 = arith.constant 0 : i32
        %dma_start3A_267 = arith.constant 0 : i32
        %dma_start3A_268 = tpu.memref_slice %arg8[%run_scoped3A, %dma_start3A_266, %dma_start3A_267] : memref<6x40x128xf32, #tpu.memory_space<vmem>> -> memref<1x40x128xf32, #tpu.memory_space<vmem>>
        %dma_start3A_269 = tpu.memref_squeeze %dma_start3A_268 : memref<1x40x128xf32, #tpu.memory_space<vmem>> -> memref<40x128xf32, #tpu.memory_space<vmem>>
        %dma_start3A_270 = arith.constant 0 : i32
        %dma_start3A_271 = tpu.memref_slice %arg9[%mul3A_264, %dma_start3A_270] : memref<10000x128xf32, #tpu.memory_space<vmem_shared>> -> memref<40x128xf32, #tpu.memory_space<vmem_shared>>
        %dma_start3A_272 = arith.constant 0 : i32
        %dma_start3A_273 = tpu.memref_slice %arg9[%mul3A_264, %dma_start3A_272] : memref<10000x128xf32, #tpu.memory_space<vmem_shared>> -> memref<40x128xf32, #tpu.memory_space<vmem_shared>>
        %dma_start3A_274 = arith.constant 0 : i32
        %dma_start3A_275 = arith.constant 0 : i32
        %dma_start3A_276 = tpu.memref_slice %arg8[%run_scoped3A, %dma_start3A_274, %dma_start3A_275] : memref<6x40x128xf32, #tpu.memory_space<vmem>> -> memref<1x40x128xf32, #tpu.memory_space<vmem>>
        %dma_start3A_277 = tpu.memref_squeeze %dma_start3A_276 : memref<1x40x128xf32, #tpu.memory_space<vmem>> -> memref<40x128xf32, #tpu.memory_space<vmem>>
        tpu.enqueue_dma source(%dma_start3A_277 : memref<40x128xf32, #tpu.memory_space<vmem>>) target(%dma_start3A_273 : memref<40x128xf32, #tpu.memory_space<vmem_shared>>) target_semaphore(%run_scoped3A_265 : memref<!tpu.dma_semaphore, #tpu.memory_space<semaphore_mem>>)
        %dma_wait3A = arith.constant 0 : i32
        %dma_wait3A_278 = arith.constant 0 : i32
        %dma_wait3A_279 = tpu.memref_slice %arg8[%run_scoped3A, %dma_wait3A, %dma_wait3A_278] : memref<6x40x128xf32, #tpu.memory_space<vmem>> -> memref<1x40x128xf32, #tpu.memory_space<vmem>>
        %dma_wait3A_280 = tpu.memref_squeeze %dma_wait3A_279 : memref<1x40x128xf32, #tpu.memory_space<vmem>> -> memref<40x128xf32, #tpu.memory_space<vmem>>
        %dma_wait3A_281 = arith.constant 0 : i32
        %dma_wait3A_282 = tpu.memref_slice %arg9[%mul3A_264, %dma_wait3A_281] : memref<10000x128xf32, #tpu.memory_space<vmem_shared>> -> memref<40x128xf32, #tpu.memory_space<vmem_shared>>
        %dma_wait3A_283 = arith.constant 0 : i32
        %dma_wait3A_284 = tpu.memref_slice %arg9[%mul3A_264, %dma_wait3A_283] : memref<10000x128xf32, #tpu.memory_space<vmem_shared>> -> memref<40x128xf32, #tpu.memory_space<vmem_shared>>
        %dma_wait3A_285 = arith.constant 0 : i32
        %dma_wait3A_286 = arith.constant 0 : i32
        %dma_wait3A_287 = tpu.memref_slice %arg8[%run_scoped3A, %dma_wait3A_285, %dma_wait3A_286] : memref<6x40x128xf32, #tpu.memory_space<vmem>> -> memref<1x40x128xf32, #tpu.memory_space<vmem>>
        %dma_wait3A_288 = tpu.memref_squeeze %dma_wait3A_287 : memref<1x40x128xf32, #tpu.memory_space<vmem>> -> memref<40x128xf32, #tpu.memory_space<vmem>>
        tpu.wait_dma2 semaphore(%run_scoped3A_265 : memref<!tpu.dma_semaphore, #tpu.memory_space<semaphore_mem>>) src(%dma_wait3A_288 : memref<40x128xf32, #tpu.memory_space<vmem>>) dst(%dma_wait3A_284 : memref<40x128xf32, #tpu.memory_space<vmem_shared>>)
        tpu.yield
      }) : () -> ()
    } else {
    }
    %add3A_22 = arith.constant 48 : i32
    %add3A_23 = arith.addi %add3A_22, %arg1 : i32
    %lt3A_24 = arith.constant 250 : i32
    %lt3A_25 = arith.cmpi slt, %add3A_23, %lt3A_24 : i32
    %convert_element_type3A_26 = arith.extui %lt3A_25 : i1 to i32
    %cond3A_27 = arith.constant 0 : i32
    %cond3A_28 = arith.cmpi ne, %convert_element_type3A_26, %cond3A_27 : i32
    scf.if %cond3A_28 {
      %mul3A = arith.constant 40 : i32
      %mul3A_264 = arith.muli %add3A_23, %mul3A : i32
      %run_scoped3A = arith.constant 0 : i32
      "tpu.region"() ({
        %run_scoped3A_265 = tpu.sem_alloc : memref<!tpu.dma_semaphore, #tpu.memory_space<semaphore_mem>>
        %dma_start3A_266 = arith.constant 0 : i32
        %dma_start3A_267 = arith.constant 0 : i32
        %dma_start3A_268 = tpu.memref_slice %arg8[%run_scoped3A, %dma_start3A_266, %dma_start3A_267] : memref<6x40x128xf32, #tpu.memory_space<vmem>> -> memref<1x40x128xf32, #tpu.memory_space<vmem>>
        %dma_start3A_269 = tpu.memref_squeeze %dma_start3A_268 : memref<1x40x128xf32, #tpu.memory_space<vmem>> -> memref<40x128xf32, #tpu.memory_space<vmem>>
        %dma_start3A_270 = arith.constant 0 : i32
        %dma_start3A_271 = tpu.memref_slice %arg9[%mul3A_264, %dma_start3A_270] : memref<10000x128xf32, #tpu.memory_space<vmem_shared>> -> memref<40x128xf32, #tpu.memory_space<vmem_shared>>
        %dma_start3A_272 = arith.constant 0 : i32
        %dma_start3A_273 = tpu.memref_slice %arg9[%mul3A_264, %dma_start3A_272] : memref<10000x128xf32, #tpu.memory_space<vmem_shared>> -> memref<40x128xf32, #tpu.memory_space<vmem_shared>>
        %dma_start3A_274 = arith.constant 0 : i32
        %dma_start3A_275 = arith.constant 0 : i32
        %dma_start3A_276 = tpu.memref_slice %arg8[%run_scoped3A, %dma_start3A_274, %dma_start3A_275] : memref<6x40x128xf32, #tpu.memory_space<vmem>> -> memref<1x40x128xf32, #tpu.memory_space<vmem>>
        %dma_start3A_277 = tpu.memref_squeeze %dma_start3A_276 : memref<1x40x128xf32, #tpu.memory_space<vmem>> -> memref<40x128xf32, #tpu.memory_space<vmem>>
        tpu.enqueue_dma source(%dma_start3A_277 : memref<40x128xf32, #tpu.memory_space<vmem>>) target(%dma_start3A_273 : memref<40x128xf32, #tpu.memory_space<vmem_shared>>) target_semaphore(%run_scoped3A_265 : memref<!tpu.dma_semaphore, #tpu.memory_space<semaphore_mem>>)
        %dma_wait3A = arith.constant 0 : i32
        %dma_wait3A_278 = arith.constant 0 : i32
        %dma_wait3A_279 = tpu.memref_slice %arg8[%run_scoped3A, %dma_wait3A, %dma_wait3A_278] : memref<6x40x128xf32, #tpu.memory_space<vmem>> -> memref<1x40x128xf32, #tpu.memory_space<vmem>>
        %dma_wait3A_280 = tpu.memref_squeeze %dma_wait3A_279 : memref<1x40x128xf32, #tpu.memory_space<vmem>> -> memref<40x128xf32, #tpu.memory_space<vmem>>
        %dma_wait3A_281 = arith.constant 0 : i32
        %dma_wait3A_282 = tpu.memref_slice %arg9[%mul3A_264, %dma_wait3A_281] : memref<10000x128xf32, #tpu.memory_space<vmem_shared>> -> memref<40x128xf32, #tpu.memory_space<vmem_shared>>
        %dma_wait3A_283 = arith.constant 0 : i32
        %dma_wait3A_284 = tpu.memref_slice %arg9[%mul3A_264, %dma_wait3A_283] : memref<10000x128xf32, #tpu.memory_space<vmem_shared>> -> memref<40x128xf32, #tpu.memory_space<vmem_shared>>
        %dma_wait3A_285 = arith.constant 0 : i32
        %dma_wait3A_286 = arith.constant 0 : i32
        %dma_wait3A_287 = tpu.memref_slice %arg8[%run_scoped3A, %dma_wait3A_285, %dma_wait3A_286] : memref<6x40x128xf32, #tpu.memory_space<vmem>> -> memref<1x40x128xf32, #tpu.memory_space<vmem>>
        %dma_wait3A_288 = tpu.memref_squeeze %dma_wait3A_287 : memref<1x40x128xf32, #tpu.memory_space<vmem>> -> memref<40x128xf32, #tpu.memory_space<vmem>>
        tpu.wait_dma2 semaphore(%run_scoped3A_265 : memref<!tpu.dma_semaphore, #tpu.memory_space<semaphore_mem>>) src(%dma_wait3A_288 : memref<40x128xf32, #tpu.memory_space<vmem>>) dst(%dma_wait3A_284 : memref<40x128xf32, #tpu.memory_space<vmem_shared>>)
        tpu.yield
      }) : () -> ()
    } else {
    }
    %add3A_29 = arith.constant 64 : i32
    %add3A_30 = arith.addi %add3A_29, %arg1 : i32
    %lt3A_31 = arith.constant 250 : i32
    %lt3A_32 = arith.cmpi slt, %add3A_30, %lt3A_31 : i32
    %convert_element_type3A_33 = arith.extui %lt3A_32 : i1 to i32
    %cond3A_34 = arith.constant 0 : i32
    %cond3A_35 = arith.cmpi ne, %convert_element_type3A_33, %cond3A_34 : i32
    scf.if %cond3A_35 {
      %mul3A = arith.constant 40 : i32
      %mul3A_264 = arith.muli %add3A_30, %mul3A : i32
      %run_scoped3A = arith.constant 0 : i32
      "tpu.region"() ({
        %run_scoped3A_265 = tpu.sem_alloc : memref<!tpu.dma_semaphore, #tpu.memory_space<semaphore_mem>>
        %dma_start3A_266 = arith.constant 0 : i32
        %dma_start3A_267 = arith.constant 0 : i32
        %dma_start3A_268 = tpu.memref_slice %arg8[%run_scoped3A, %dma_start3A_266, %dma_start3A_267] : memref<6x40x128xf32, #tpu.memory_space<vmem>> -> memref<1x40x128xf32, #tpu.memory_space<vmem>>
        %dma_start3A_269 = tpu.memref_squeeze %dma_start3A_268 : memref<1x40x128xf32, #tpu.memory_space<vmem>> -> memref<40x128xf32, #tpu.memory_space<vmem>>
        %dma_start3A_270 = arith.constant 0 : i32
        %dma_start3A_271 = tpu.memref_slice %arg9[%mul3A_264, %dma_start3A_270] : memref<10000x128xf32, #tpu.memory_space<vmem_shared>> -> memref<40x128xf32, #tpu.memory_space<vmem_shared>>
        %dma_start3A_272 = arith.constant 0 : i32
        %dma_start3A_273 = tpu.memref_slice %arg9[%mul3A_264, %dma_start3A_272] : memref<10000x128xf32, #tpu.memory_space<vmem_shared>> -> memref<40x128xf32, #tpu.memory_space<vmem_shared>>
        %dma_start3A_274 = arith.constant 0 : i32
        %dma_start3A_275 = arith.constant 0 : i32
        %dma_start3A_276 = tpu.memref_slice %arg8[%run_scoped3A, %dma_start3A_274, %dma_start3A_275] : memref<6x40x128xf32, #tpu.memory_space<vmem>> -> memref<1x40x128xf32, #tpu.memory_space<vmem>>
        %dma_start3A_277 = tpu.memref_squeeze %dma_start3A_276 : memref<1x40x128xf32, #tpu.memory_space<vmem>> -> memref<40x128xf32, #tpu.memory_space<vmem>>
        tpu.enqueue_dma source(%dma_start3A_277 : memref<40x128xf32, #tpu.memory_space<vmem>>) target(%dma_start3A_273 : memref<40x128xf32, #tpu.memory_space<vmem_shared>>) target_semaphore(%run_scoped3A_265 : memref<!tpu.dma_semaphore, #tpu.memory_space<semaphore_mem>>)
        %dma_wait3A = arith.constant 0 : i32
        %dma_wait3A_278 = arith.constant 0 : i32
        %dma_wait3A_279 = tpu.memref_slice %arg8[%run_scoped3A, %dma_wait3A, %dma_wait3A_278] : memref<6x40x128xf32, #tpu.memory_space<vmem>> -> memref<1x40x128xf32, #tpu.memory_space<vmem>>
        %dma_wait3A_280 = tpu.memref_squeeze %dma_wait3A_279 : memref<1x40x128xf32, #tpu.memory_space<vmem>> -> memref<40x128xf32, #tpu.memory_space<vmem>>
        %dma_wait3A_281 = arith.constant 0 : i32
        %dma_wait3A_282 = tpu.memref_slice %arg9[%mul3A_264, %dma_wait3A_281] : memref<10000x128xf32, #tpu.memory_space<vmem_shared>> -> memref<40x128xf32, #tpu.memory_space<vmem_shared>>
        %dma_wait3A_283 = arith.constant 0 : i32
        %dma_wait3A_284 = tpu.memref_slice %arg9[%mul3A_264, %dma_wait3A_283] : memref<10000x128xf32, #tpu.memory_space<vmem_shared>> -> memref<40x128xf32, #tpu.memory_space<vmem_shared>>
        %dma_wait3A_285 = arith.constant 0 : i32
        %dma_wait3A_286 = arith.constant 0 : i32
        %dma_wait3A_287 = tpu.memref_slice %arg8[%run_scoped3A, %dma_wait3A_285, %dma_wait3A_286] : memref<6x40x128xf32, #tpu.memory_space<vmem>> -> memref<1x40x128xf32, #tpu.memory_space<vmem>>
        %dma_wait3A_288 = tpu.memref_squeeze %dma_wait3A_287 : memref<1x40x128xf32, #tpu.memory_space<vmem>> -> memref<40x128xf32, #tpu.memory_space<vmem>>
        tpu.wait_dma2 semaphore(%run_scoped3A_265 : memref<!tpu.dma_semaphore, #tpu.memory_space<semaphore_mem>>) src(%dma_wait3A_288 : memref<40x128xf32, #tpu.memory_space<vmem>>) dst(%dma_wait3A_284 : memref<40x128xf32, #tpu.memory_space<vmem_shared>>)
        tpu.yield
      }) : () -> ()
    } else {
    }
    %add3A_36 = arith.constant 80 : i32
    %add3A_37 = arith.addi %add3A_36, %arg1 : i32
    %lt3A_38 = arith.constant 250 : i32
    %lt3A_39 = arith.cmpi slt, %add3A_37, %lt3A_38 : i32
    %convert_element_type3A_40 = arith.extui %lt3A_39 : i1 to i32
    %cond3A_41 = arith.constant 0 : i32
    %cond3A_42 = arith.cmpi ne, %convert_element_type3A_40, %cond3A_41 : i32
    scf.if %cond3A_42 {
      %mul3A = arith.constant 40 : i32
      %mul3A_264 = arith.muli %add3A_37, %mul3A : i32
      %run_scoped3A = arith.constant 0 : i32
      "tpu.region"() ({
        %run_scoped3A_265 = tpu.sem_alloc : memref<!tpu.dma_semaphore, #tpu.memory_space<semaphore_mem>>
        %dma_start3A_266 = arith.constant 0 : i32
        %dma_start3A_267 = arith.constant 0 : i32
        %dma_start3A_268 = tpu.memref_slice %arg8[%run_scoped3A, %dma_start3A_266, %dma_start3A_267] : memref<6x40x128xf32, #tpu.memory_space<vmem>> -> memref<1x40x128xf32, #tpu.memory_space<vmem>>
        %dma_start3A_269 = tpu.memref_squeeze %dma_start3A_268 : memref<1x40x128xf32, #tpu.memory_space<vmem>> -> memref<40x128xf32, #tpu.memory_space<vmem>>
        %dma_start3A_270 = arith.constant 0 : i32
        %dma_start3A_271 = tpu.memref_slice %arg9[%mul3A_264, %dma_start3A_270] : memref<10000x128xf32, #tpu.memory_space<vmem_shared>> -> memref<40x128xf32, #tpu.memory_space<vmem_shared>>
        %dma_start3A_272 = arith.constant 0 : i32
        %dma_start3A_273 = tpu.memref_slice %arg9[%mul3A_264, %dma_start3A_272] : memref<10000x128xf32, #tpu.memory_space<vmem_shared>> -> memref<40x128xf32, #tpu.memory_space<vmem_shared>>
        %dma_start3A_274 = arith.constant 0 : i32
        %dma_start3A_275 = arith.constant 0 : i32
        %dma_start3A_276 = tpu.memref_slice %arg8[%run_scoped3A, %dma_start3A_274, %dma_start3A_275] : memref<6x40x128xf32, #tpu.memory_space<vmem>> -> memref<1x40x128xf32, #tpu.memory_space<vmem>>
        %dma_start3A_277 = tpu.memref_squeeze %dma_start3A_276 : memref<1x40x128xf32, #tpu.memory_space<vmem>> -> memref<40x128xf32, #tpu.memory_space<vmem>>
        tpu.enqueue_dma source(%dma_start3A_277 : memref<40x128xf32, #tpu.memory_space<vmem>>) target(%dma_start3A_273 : memref<40x128xf32, #tpu.memory_space<vmem_shared>>) target_semaphore(%run_scoped3A_265 : memref<!tpu.dma_semaphore, #tpu.memory_space<semaphore_mem>>)
        %dma_wait3A = arith.constant 0 : i32
        %dma_wait3A_278 = arith.constant 0 : i32
        %dma_wait3A_279 = tpu.memref_slice %arg8[%run_scoped3A, %dma_wait3A, %dma_wait3A_278] : memref<6x40x128xf32, #tpu.memory_space<vmem>> -> memref<1x40x128xf32, #tpu.memory_space<vmem>>
        %dma_wait3A_280 = tpu.memref_squeeze %dma_wait3A_279 : memref<1x40x128xf32, #tpu.memory_space<vmem>> -> memref<40x128xf32, #tpu.memory_space<vmem>>
        %dma_wait3A_281 = arith.constant 0 : i32
        %dma_wait3A_282 = tpu.memref_slice %arg9[%mul3A_264, %dma_wait3A_281] : memref<10000x128xf32, #tpu.memory_space<vmem_shared>> -> memref<40x128xf32, #tpu.memory_space<vmem_shared>>
        %dma_wait3A_283 = arith.constant 0 : i32
        %dma_wait3A_284 = tpu.memref_slice %arg9[%mul3A_264, %dma_wait3A_283] : memref<10000x128xf32, #tpu.memory_space<vmem_shared>> -> memref<40x128xf32, #tpu.memory_space<vmem_shared>>
        %dma_wait3A_285 = arith.constant 0 : i32
        %dma_wait3A_286 = arith.constant 0 : i32
        %dma_wait3A_287 = tpu.memref_slice %arg8[%run_scoped3A, %dma_wait3A_285, %dma_wait3A_286] : memref<6x40x128xf32, #tpu.memory_space<vmem>> -> memref<1x40x128xf32, #tpu.memory_space<vmem>>
        %dma_wait3A_288 = tpu.memref_squeeze %dma_wait3A_287 : memref<1x40x128xf32, #tpu.memory_space<vmem>> -> memref<40x128xf32, #tpu.memory_space<vmem>>
        tpu.wait_dma2 semaphore(%run_scoped3A_265 : memref<!tpu.dma_semaphore, #tpu.memory_space<semaphore_mem>>) src(%dma_wait3A_288 : memref<40x128xf32, #tpu.memory_space<vmem>>) dst(%dma_wait3A_284 : memref<40x128xf32, #tpu.memory_space<vmem_shared>>)
        tpu.yield
      }) : () -> ()
    } else {
    }
    %add3A_43 = arith.constant 96 : i32
    %add3A_44 = arith.addi %add3A_43, %arg1 : i32
    %lt3A_45 = arith.constant 250 : i32
    %lt3A_46 = arith.cmpi slt, %add3A_44, %lt3A_45 : i32
    %convert_element_type3A_47 = arith.extui %lt3A_46 : i1 to i32
    %cond3A_48 = arith.constant 0 : i32
    %cond3A_49 = arith.cmpi ne, %convert_element_type3A_47, %cond3A_48 : i32
    scf.if %cond3A_49 {
      %mul3A = arith.constant 40 : i32
      %mul3A_264 = arith.muli %add3A_44, %mul3A : i32
      %run_scoped3A = arith.constant 0 : i32
      "tpu.region"() ({
        %run_scoped3A_265 = tpu.sem_alloc : memref<!tpu.dma_semaphore, #tpu.memory_space<semaphore_mem>>
        %dma_start3A_266 = arith.constant 0 : i32
        %dma_start3A_267 = arith.constant 0 : i32
        %dma_start3A_268 = tpu.memref_slice %arg8[%run_scoped3A, %dma_start3A_266, %dma_start3A_267] : memref<6x40x128xf32, #tpu.memory_space<vmem>> -> memref<1x40x128xf32, #tpu.memory_space<vmem>>
        %dma_start3A_269 = tpu.memref_squeeze %dma_start3A_268 : memref<1x40x128xf32, #tpu.memory_space<vmem>> -> memref<40x128xf32, #tpu.memory_space<vmem>>
        %dma_start3A_270 = arith.constant 0 : i32
        %dma_start3A_271 = tpu.memref_slice %arg9[%mul3A_264, %dma_start3A_270] : memref<10000x128xf32, #tpu.memory_space<vmem_shared>> -> memref<40x128xf32, #tpu.memory_space<vmem_shared>>
        %dma_start3A_272 = arith.constant 0 : i32
        %dma_start3A_273 = tpu.memref_slice %arg9[%mul3A_264, %dma_start3A_272] : memref<10000x128xf32, #tpu.memory_space<vmem_shared>> -> memref<40x128xf32, #tpu.memory_space<vmem_shared>>
        %dma_start3A_274 = arith.constant 0 : i32
        %dma_start3A_275 = arith.constant 0 : i32
        %dma_start3A_276 = tpu.memref_slice %arg8[%run_scoped3A, %dma_start3A_274, %dma_start3A_275] : memref<6x40x128xf32, #tpu.memory_space<vmem>> -> memref<1x40x128xf32, #tpu.memory_space<vmem>>
        %dma_start3A_277 = tpu.memref_squeeze %dma_start3A_276 : memref<1x40x128xf32, #tpu.memory_space<vmem>> -> memref<40x128xf32, #tpu.memory_space<vmem>>
        tpu.enqueue_dma source(%dma_start3A_277 : memref<40x128xf32, #tpu.memory_space<vmem>>) target(%dma_start3A_273 : memref<40x128xf32, #tpu.memory_space<vmem_shared>>) target_semaphore(%run_scoped3A_265 : memref<!tpu.dma_semaphore, #tpu.memory_space<semaphore_mem>>)
        %dma_wait3A = arith.constant 0 : i32
        %dma_wait3A_278 = arith.constant 0 : i32
        %dma_wait3A_279 = tpu.memref_slice %arg8[%run_scoped3A, %dma_wait3A, %dma_wait3A_278] : memref<6x40x128xf32, #tpu.memory_space<vmem>> -> memref<1x40x128xf32, #tpu.memory_space<vmem>>
        %dma_wait3A_280 = tpu.memref_squeeze %dma_wait3A_279 : memref<1x40x128xf32, #tpu.memory_space<vmem>> -> memref<40x128xf32, #tpu.memory_space<vmem>>
        %dma_wait3A_281 = arith.constant 0 : i32
        %dma_wait3A_282 = tpu.memref_slice %arg9[%mul3A_264, %dma_wait3A_281] : memref<10000x128xf32, #tpu.memory_space<vmem_shared>> -> memref<40x128xf32, #tpu.memory_space<vmem_shared>>
        %dma_wait3A_283 = arith.constant 0 : i32
        %dma_wait3A_284 = tpu.memref_slice %arg9[%mul3A_264, %dma_wait3A_283] : memref<10000x128xf32, #tpu.memory_space<vmem_shared>> -> memref<40x128xf32, #tpu.memory_space<vmem_shared>>
        %dma_wait3A_285 = arith.constant 0 : i32
        %dma_wait3A_286 = arith.constant 0 : i32
        %dma_wait3A_287 = tpu.memref_slice %arg8[%run_scoped3A, %dma_wait3A_285, %dma_wait3A_286] : memref<6x40x128xf32, #tpu.memory_space<vmem>> -> memref<1x40x128xf32, #tpu.memory_space<vmem>>
        %dma_wait3A_288 = tpu.memref_squeeze %dma_wait3A_287 : memref<1x40x128xf32, #tpu.memory_space<vmem>> -> memref<40x128xf32, #tpu.memory_space<vmem>>
        tpu.wait_dma2 semaphore(%run_scoped3A_265 : memref<!tpu.dma_semaphore, #tpu.memory_space<semaphore_mem>>) src(%dma_wait3A_288 : memref<40x128xf32, #tpu.memory_space<vmem>>) dst(%dma_wait3A_284 : memref<40x128xf32, #tpu.memory_space<vmem_shared>>)
        tpu.yield
      }) : () -> ()
    } else {
    }
    %add3A_50 = arith.constant 112 : i32
    %add3A_51 = arith.addi %add3A_50, %arg1 : i32
    %lt3A_52 = arith.constant 250 : i32
    %lt3A_53 = arith.cmpi slt, %add3A_51, %lt3A_52 : i32
    %convert_element_type3A_54 = arith.extui %lt3A_53 : i1 to i32
    %cond3A_55 = arith.constant 0 : i32
    %cond3A_56 = arith.cmpi ne, %convert_element_type3A_54, %cond3A_55 : i32
    scf.if %cond3A_56 {
      %mul3A = arith.constant 40 : i32
      %mul3A_264 = arith.muli %add3A_51, %mul3A : i32
      %run_scoped3A = arith.constant 0 : i32
      "tpu.region"() ({
        %run_scoped3A_265 = tpu.sem_alloc : memref<!tpu.dma_semaphore, #tpu.memory_space<semaphore_mem>>
        %dma_start3A_266 = arith.constant 0 : i32
        %dma_start3A_267 = arith.constant 0 : i32
        %dma_start3A_268 = tpu.memref_slice %arg8[%run_scoped3A, %dma_start3A_266, %dma_start3A_267] : memref<6x40x128xf32, #tpu.memory_space<vmem>> -> memref<1x40x128xf32, #tpu.memory_space<vmem>>
        %dma_start3A_269 = tpu.memref_squeeze %dma_start3A_268 : memref<1x40x128xf32, #tpu.memory_space<vmem>> -> memref<40x128xf32, #tpu.memory_space<vmem>>
        %dma_start3A_270 = arith.constant 0 : i32
        %dma_start3A_271 = tpu.memref_slice %arg9[%mul3A_264, %dma_start3A_270] : memref<10000x128xf32, #tpu.memory_space<vmem_shared>> -> memref<40x128xf32, #tpu.memory_space<vmem_shared>>
        %dma_start3A_272 = arith.constant 0 : i32
        %dma_start3A_273 = tpu.memref_slice %arg9[%mul3A_264, %dma_start3A_272] : memref<10000x128xf32, #tpu.memory_space<vmem_shared>> -> memref<40x128xf32, #tpu.memory_space<vmem_shared>>
        %dma_start3A_274 = arith.constant 0 : i32
        %dma_start3A_275 = arith.constant 0 : i32
        %dma_start3A_276 = tpu.memref_slice %arg8[%run_scoped3A, %dma_start3A_274, %dma_start3A_275] : memref<6x40x128xf32, #tpu.memory_space<vmem>> -> memref<1x40x128xf32, #tpu.memory_space<vmem>>
        %dma_start3A_277 = tpu.memref_squeeze %dma_start3A_276 : memref<1x40x128xf32, #tpu.memory_space<vmem>> -> memref<40x128xf32, #tpu.memory_space<vmem>>
        tpu.enqueue_dma source(%dma_start3A_277 : memref<40x128xf32, #tpu.memory_space<vmem>>) target(%dma_start3A_273 : memref<40x128xf32, #tpu.memory_space<vmem_shared>>) target_semaphore(%run_scoped3A_265 : memref<!tpu.dma_semaphore, #tpu.memory_space<semaphore_mem>>)
        %dma_wait3A = arith.constant 0 : i32
        %dma_wait3A_278 = arith.constant 0 : i32
        %dma_wait3A_279 = tpu.memref_slice %arg8[%run_scoped3A, %dma_wait3A, %dma_wait3A_278] : memref<6x40x128xf32, #tpu.memory_space<vmem>> -> memref<1x40x128xf32, #tpu.memory_space<vmem>>
        %dma_wait3A_280 = tpu.memref_squeeze %dma_wait3A_279 : memref<1x40x128xf32, #tpu.memory_space<vmem>> -> memref<40x128xf32, #tpu.memory_space<vmem>>
        %dma_wait3A_281 = arith.constant 0 : i32
        %dma_wait3A_282 = tpu.memref_slice %arg9[%mul3A_264, %dma_wait3A_281] : memref<10000x128xf32, #tpu.memory_space<vmem_shared>> -> memref<40x128xf32, #tpu.memory_space<vmem_shared>>
        %dma_wait3A_283 = arith.constant 0 : i32
        %dma_wait3A_284 = tpu.memref_slice %arg9[%mul3A_264, %dma_wait3A_283] : memref<10000x128xf32, #tpu.memory_space<vmem_shared>> -> memref<40x128xf32, #tpu.memory_space<vmem_shared>>
        %dma_wait3A_285 = arith.constant 0 : i32
        %dma_wait3A_286 = arith.constant 0 : i32
        %dma_wait3A_287 = tpu.memref_slice %arg8[%run_scoped3A, %dma_wait3A_285, %dma_wait3A_286] : memref<6x40x128xf32, #tpu.memory_space<vmem>> -> memref<1x40x128xf32, #tpu.memory_space<vmem>>
        %dma_wait3A_288 = tpu.memref_squeeze %dma_wait3A_287 : memref<1x40x128xf32, #tpu.memory_space<vmem>> -> memref<40x128xf32, #tpu.memory_space<vmem>>
        tpu.wait_dma2 semaphore(%run_scoped3A_265 : memref<!tpu.dma_semaphore, #tpu.memory_space<semaphore_mem>>) src(%dma_wait3A_288 : memref<40x128xf32, #tpu.memory_space<vmem>>) dst(%dma_wait3A_284 : memref<40x128xf32, #tpu.memory_space<vmem_shared>>)
        tpu.yield
      }) : () -> ()
    } else {
    }
    %add3A_57 = arith.constant 128 : i32
    %add3A_58 = arith.addi %add3A_57, %arg1 : i32
    %lt3A_59 = arith.constant 250 : i32
    %lt3A_60 = arith.cmpi slt, %add3A_58, %lt3A_59 : i32
    %convert_element_type3A_61 = arith.extui %lt3A_60 : i1 to i32
    %cond3A_62 = arith.constant 0 : i32
    %cond3A_63 = arith.cmpi ne, %convert_element_type3A_61, %cond3A_62 : i32
    scf.if %cond3A_63 {
      %mul3A = arith.constant 40 : i32
      %mul3A_264 = arith.muli %add3A_58, %mul3A : i32
      %run_scoped3A = arith.constant 0 : i32
      "tpu.region"() ({
        %run_scoped3A_265 = tpu.sem_alloc : memref<!tpu.dma_semaphore, #tpu.memory_space<semaphore_mem>>
        %dma_start3A_266 = arith.constant 0 : i32
        %dma_start3A_267 = arith.constant 0 : i32
        %dma_start3A_268 = tpu.memref_slice %arg8[%run_scoped3A, %dma_start3A_266, %dma_start3A_267] : memref<6x40x128xf32, #tpu.memory_space<vmem>> -> memref<1x40x128xf32, #tpu.memory_space<vmem>>
        %dma_start3A_269 = tpu.memref_squeeze %dma_start3A_268 : memref<1x40x128xf32, #tpu.memory_space<vmem>> -> memref<40x128xf32, #tpu.memory_space<vmem>>
        %dma_start3A_270 = arith.constant 0 : i32
        %dma_start3A_271 = tpu.memref_slice %arg9[%mul3A_264, %dma_start3A_270] : memref<10000x128xf32, #tpu.memory_space<vmem_shared>> -> memref<40x128xf32, #tpu.memory_space<vmem_shared>>
        %dma_start3A_272 = arith.constant 0 : i32
        %dma_start3A_273 = tpu.memref_slice %arg9[%mul3A_264, %dma_start3A_272] : memref<10000x128xf32, #tpu.memory_space<vmem_shared>> -> memref<40x128xf32, #tpu.memory_space<vmem_shared>>
        %dma_start3A_274 = arith.constant 0 : i32
        %dma_start3A_275 = arith.constant 0 : i32
        %dma_start3A_276 = tpu.memref_slice %arg8[%run_scoped3A, %dma_start3A_274, %dma_start3A_275] : memref<6x40x128xf32, #tpu.memory_space<vmem>> -> memref<1x40x128xf32, #tpu.memory_space<vmem>>
        %dma_start3A_277 = tpu.memref_squeeze %dma_start3A_276 : memref<1x40x128xf32, #tpu.memory_space<vmem>> -> memref<40x128xf32, #tpu.memory_space<vmem>>
        tpu.enqueue_dma source(%dma_start3A_277 : memref<40x128xf32, #tpu.memory_space<vmem>>) target(%dma_start3A_273 : memref<40x128xf32, #tpu.memory_space<vmem_shared>>) target_semaphore(%run_scoped3A_265 : memref<!tpu.dma_semaphore, #tpu.memory_space<semaphore_mem>>)
        %dma_wait3A = arith.constant 0 : i32
        %dma_wait3A_278 = arith.constant 0 : i32
        %dma_wait3A_279 = tpu.memref_slice %arg8[%run_scoped3A, %dma_wait3A, %dma_wait3A_278] : memref<6x40x128xf32, #tpu.memory_space<vmem>> -> memref<1x40x128xf32, #tpu.memory_space<vmem>>
        %dma_wait3A_280 = tpu.memref_squeeze %dma_wait3A_279 : memref<1x40x128xf32, #tpu.memory_space<vmem>> -> memref<40x128xf32, #tpu.memory_space<vmem>>
        %dma_wait3A_281 = arith.constant 0 : i32
        %dma_wait3A_282 = tpu.memref_slice %arg9[%mul3A_264, %dma_wait3A_281] : memref<10000x128xf32, #tpu.memory_space<vmem_shared>> -> memref<40x128xf32, #tpu.memory_space<vmem_shared>>
        %dma_wait3A_283 = arith.constant 0 : i32
        %dma_wait3A_284 = tpu.memref_slice %arg9[%mul3A_264, %dma_wait3A_283] : memref<10000x128xf32, #tpu.memory_space<vmem_shared>> -> memref<40x128xf32, #tpu.memory_space<vmem_shared>>
        %dma_wait3A_285 = arith.constant 0 : i32
        %dma_wait3A_286 = arith.constant 0 : i32
        %dma_wait3A_287 = tpu.memref_slice %arg8[%run_scoped3A, %dma_wait3A_285, %dma_wait3A_286] : memref<6x40x128xf32, #tpu.memory_space<vmem>> -> memref<1x40x128xf32, #tpu.memory_space<vmem>>
        %dma_wait3A_288 = tpu.memref_squeeze %dma_wait3A_287 : memref<1x40x128xf32, #tpu.memory_space<vmem>> -> memref<40x128xf32, #tpu.memory_space<vmem>>
        tpu.wait_dma2 semaphore(%run_scoped3A_265 : memref<!tpu.dma_semaphore, #tpu.memory_space<semaphore_mem>>) src(%dma_wait3A_288 : memref<40x128xf32, #tpu.memory_space<vmem>>) dst(%dma_wait3A_284 : memref<40x128xf32, #tpu.memory_space<vmem_shared>>)
        tpu.yield
      }) : () -> ()
    } else {
    }
    %add3A_64 = arith.constant 144 : i32
    %add3A_65 = arith.addi %add3A_64, %arg1 : i32
    %lt3A_66 = arith.constant 250 : i32
    %lt3A_67 = arith.cmpi slt, %add3A_65, %lt3A_66 : i32
    %convert_element_type3A_68 = arith.extui %lt3A_67 : i1 to i32
    %cond3A_69 = arith.constant 0 : i32
    %cond3A_70 = arith.cmpi ne, %convert_element_type3A_68, %cond3A_69 : i32
    scf.if %cond3A_70 {
      %mul3A = arith.constant 40 : i32
      %mul3A_264 = arith.muli %add3A_65, %mul3A : i32
      %run_scoped3A = arith.constant 0 : i32
      "tpu.region"() ({
        %run_scoped3A_265 = tpu.sem_alloc : memref<!tpu.dma_semaphore, #tpu.memory_space<semaphore_mem>>
        %dma_start3A_266 = arith.constant 0 : i32
        %dma_start3A_267 = arith.constant 0 : i32
        %dma_start3A_268 = tpu.memref_slice %arg8[%run_scoped3A, %dma_start3A_266, %dma_start3A_267] : memref<6x40x128xf32, #tpu.memory_space<vmem>> -> memref<1x40x128xf32, #tpu.memory_space<vmem>>
        %dma_start3A_269 = tpu.memref_squeeze %dma_start3A_268 : memref<1x40x128xf32, #tpu.memory_space<vmem>> -> memref<40x128xf32, #tpu.memory_space<vmem>>
        %dma_start3A_270 = arith.constant 0 : i32
        %dma_start3A_271 = tpu.memref_slice %arg9[%mul3A_264, %dma_start3A_270] : memref<10000x128xf32, #tpu.memory_space<vmem_shared>> -> memref<40x128xf32, #tpu.memory_space<vmem_shared>>
        %dma_start3A_272 = arith.constant 0 : i32
        %dma_start3A_273 = tpu.memref_slice %arg9[%mul3A_264, %dma_start3A_272] : memref<10000x128xf32, #tpu.memory_space<vmem_shared>> -> memref<40x128xf32, #tpu.memory_space<vmem_shared>>
        %dma_start3A_274 = arith.constant 0 : i32
        %dma_start3A_275 = arith.constant 0 : i32
        %dma_start3A_276 = tpu.memref_slice %arg8[%run_scoped3A, %dma_start3A_274, %dma_start3A_275] : memref<6x40x128xf32, #tpu.memory_space<vmem>> -> memref<1x40x128xf32, #tpu.memory_space<vmem>>
        %dma_start3A_277 = tpu.memref_squeeze %dma_start3A_276 : memref<1x40x128xf32, #tpu.memory_space<vmem>> -> memref<40x128xf32, #tpu.memory_space<vmem>>
        tpu.enqueue_dma source(%dma_start3A_277 : memref<40x128xf32, #tpu.memory_space<vmem>>) target(%dma_start3A_273 : memref<40x128xf32, #tpu.memory_space<vmem_shared>>) target_semaphore(%run_scoped3A_265 : memref<!tpu.dma_semaphore, #tpu.memory_space<semaphore_mem>>)
        %dma_wait3A = arith.constant 0 : i32
        %dma_wait3A_278 = arith.constant 0 : i32
        %dma_wait3A_279 = tpu.memref_slice %arg8[%run_scoped3A, %dma_wait3A, %dma_wait3A_278] : memref<6x40x128xf32, #tpu.memory_space<vmem>> -> memref<1x40x128xf32, #tpu.memory_space<vmem>>
        %dma_wait3A_280 = tpu.memref_squeeze %dma_wait3A_279 : memref<1x40x128xf32, #tpu.memory_space<vmem>> -> memref<40x128xf32, #tpu.memory_space<vmem>>
        %dma_wait3A_281 = arith.constant 0 : i32
        %dma_wait3A_282 = tpu.memref_slice %arg9[%mul3A_264, %dma_wait3A_281] : memref<10000x128xf32, #tpu.memory_space<vmem_shared>> -> memref<40x128xf32, #tpu.memory_space<vmem_shared>>
        %dma_wait3A_283 = arith.constant 0 : i32
        %dma_wait3A_284 = tpu.memref_slice %arg9[%mul3A_264, %dma_wait3A_283] : memref<10000x128xf32, #tpu.memory_space<vmem_shared>> -> memref<40x128xf32, #tpu.memory_space<vmem_shared>>
        %dma_wait3A_285 = arith.constant 0 : i32
        %dma_wait3A_286 = arith.constant 0 : i32
        %dma_wait3A_287 = tpu.memref_slice %arg8[%run_scoped3A, %dma_wait3A_285, %dma_wait3A_286] : memref<6x40x128xf32, #tpu.memory_space<vmem>> -> memref<1x40x128xf32, #tpu.memory_space<vmem>>
        %dma_wait3A_288 = tpu.memref_squeeze %dma_wait3A_287 : memref<1x40x128xf32, #tpu.memory_space<vmem>> -> memref<40x128xf32, #tpu.memory_space<vmem>>
        tpu.wait_dma2 semaphore(%run_scoped3A_265 : memref<!tpu.dma_semaphore, #tpu.memory_space<semaphore_mem>>) src(%dma_wait3A_288 : memref<40x128xf32, #tpu.memory_space<vmem>>) dst(%dma_wait3A_284 : memref<40x128xf32, #tpu.memory_space<vmem_shared>>)
        tpu.yield
      }) : () -> ()
    } else {
    }
    %add3A_71 = arith.constant 160 : i32
    %add3A_72 = arith.addi %add3A_71, %arg1 : i32
    %lt3A_73 = arith.constant 250 : i32
    %lt3A_74 = arith.cmpi slt, %add3A_72, %lt3A_73 : i32
    %convert_element_type3A_75 = arith.extui %lt3A_74 : i1 to i32
    %cond3A_76 = arith.constant 0 : i32
    %cond3A_77 = arith.cmpi ne, %convert_element_type3A_75, %cond3A_76 : i32
    scf.if %cond3A_77 {
      %mul3A = arith.constant 40 : i32
      %mul3A_264 = arith.muli %add3A_72, %mul3A : i32
      %run_scoped3A = arith.constant 0 : i32
      "tpu.region"() ({
        %run_scoped3A_265 = tpu.sem_alloc : memref<!tpu.dma_semaphore, #tpu.memory_space<semaphore_mem>>
        %dma_start3A_266 = arith.constant 0 : i32
        %dma_start3A_267 = arith.constant 0 : i32
        %dma_start3A_268 = tpu.memref_slice %arg8[%run_scoped3A, %dma_start3A_266, %dma_start3A_267] : memref<6x40x128xf32, #tpu.memory_space<vmem>> -> memref<1x40x128xf32, #tpu.memory_space<vmem>>
        %dma_start3A_269 = tpu.memref_squeeze %dma_start3A_268 : memref<1x40x128xf32, #tpu.memory_space<vmem>> -> memref<40x128xf32, #tpu.memory_space<vmem>>
        %dma_start3A_270 = arith.constant 0 : i32
        %dma_start3A_271 = tpu.memref_slice %arg9[%mul3A_264, %dma_start3A_270] : memref<10000x128xf32, #tpu.memory_space<vmem_shared>> -> memref<40x128xf32, #tpu.memory_space<vmem_shared>>
        %dma_start3A_272 = arith.constant 0 : i32
        %dma_start3A_273 = tpu.memref_slice %arg9[%mul3A_264, %dma_start3A_272] : memref<10000x128xf32, #tpu.memory_space<vmem_shared>> -> memref<40x128xf32, #tpu.memory_space<vmem_shared>>
        %dma_start3A_274 = arith.constant 0 : i32
        %dma_start3A_275 = arith.constant 0 : i32
        %dma_start3A_276 = tpu.memref_slice %arg8[%run_scoped3A, %dma_start3A_274, %dma_start3A_275] : memref<6x40x128xf32, #tpu.memory_space<vmem>> -> memref<1x40x128xf32, #tpu.memory_space<vmem>>
        %dma_start3A_277 = tpu.memref_squeeze %dma_start3A_276 : memref<1x40x128xf32, #tpu.memory_space<vmem>> -> memref<40x128xf32, #tpu.memory_space<vmem>>
        tpu.enqueue_dma source(%dma_start3A_277 : memref<40x128xf32, #tpu.memory_space<vmem>>) target(%dma_start3A_273 : memref<40x128xf32, #tpu.memory_space<vmem_shared>>) target_semaphore(%run_scoped3A_265 : memref<!tpu.dma_semaphore, #tpu.memory_space<semaphore_mem>>)
        %dma_wait3A = arith.constant 0 : i32
        %dma_wait3A_278 = arith.constant 0 : i32
        %dma_wait3A_279 = tpu.memref_slice %arg8[%run_scoped3A, %dma_wait3A, %dma_wait3A_278] : memref<6x40x128xf32, #tpu.memory_space<vmem>> -> memref<1x40x128xf32, #tpu.memory_space<vmem>>
        %dma_wait3A_280 = tpu.memref_squeeze %dma_wait3A_279 : memref<1x40x128xf32, #tpu.memory_space<vmem>> -> memref<40x128xf32, #tpu.memory_space<vmem>>
        %dma_wait3A_281 = arith.constant 0 : i32
        %dma_wait3A_282 = tpu.memref_slice %arg9[%mul3A_264, %dma_wait3A_281] : memref<10000x128xf32, #tpu.memory_space<vmem_shared>> -> memref<40x128xf32, #tpu.memory_space<vmem_shared>>
        %dma_wait3A_283 = arith.constant 0 : i32
        %dma_wait3A_284 = tpu.memref_slice %arg9[%mul3A_264, %dma_wait3A_283] : memref<10000x128xf32, #tpu.memory_space<vmem_shared>> -> memref<40x128xf32, #tpu.memory_space<vmem_shared>>
        %dma_wait3A_285 = arith.constant 0 : i32
        %dma_wait3A_286 = arith.constant 0 : i32
        %dma_wait3A_287 = tpu.memref_slice %arg8[%run_scoped3A, %dma_wait3A_285, %dma_wait3A_286] : memref<6x40x128xf32, #tpu.memory_space<vmem>> -> memref<1x40x128xf32, #tpu.memory_space<vmem>>
        %dma_wait3A_288 = tpu.memref_squeeze %dma_wait3A_287 : memref<1x40x128xf32, #tpu.memory_space<vmem>> -> memref<40x128xf32, #tpu.memory_space<vmem>>
        tpu.wait_dma2 semaphore(%run_scoped3A_265 : memref<!tpu.dma_semaphore, #tpu.memory_space<semaphore_mem>>) src(%dma_wait3A_288 : memref<40x128xf32, #tpu.memory_space<vmem>>) dst(%dma_wait3A_284 : memref<40x128xf32, #tpu.memory_space<vmem_shared>>)
        tpu.yield
      }) : () -> ()
    } else {
    }
    %add3A_78 = arith.constant 176 : i32
    %add3A_79 = arith.addi %add3A_78, %arg1 : i32
    %lt3A_80 = arith.constant 250 : i32
    %lt3A_81 = arith.cmpi slt, %add3A_79, %lt3A_80 : i32
    %convert_element_type3A_82 = arith.extui %lt3A_81 : i1 to i32
    %cond3A_83 = arith.constant 0 : i32
    %cond3A_84 = arith.cmpi ne, %convert_element_type3A_82, %cond3A_83 : i32
    scf.if %cond3A_84 {
      %mul3A = arith.constant 40 : i32
      %mul3A_264 = arith.muli %add3A_79, %mul3A : i32
      %run_scoped3A = arith.constant 0 : i32
      "tpu.region"() ({
        %run_scoped3A_265 = tpu.sem_alloc : memref<!tpu.dma_semaphore, #tpu.memory_space<semaphore_mem>>
        %dma_start3A_266 = arith.constant 0 : i32
        %dma_start3A_267 = arith.constant 0 : i32
        %dma_start3A_268 = tpu.memref_slice %arg8[%run_scoped3A, %dma_start3A_266, %dma_start3A_267] : memref<6x40x128xf32, #tpu.memory_space<vmem>> -> memref<1x40x128xf32, #tpu.memory_space<vmem>>
        %dma_start3A_269 = tpu.memref_squeeze %dma_start3A_268 : memref<1x40x128xf32, #tpu.memory_space<vmem>> -> memref<40x128xf32, #tpu.memory_space<vmem>>
        %dma_start3A_270 = arith.constant 0 : i32
        %dma_start3A_271 = tpu.memref_slice %arg9[%mul3A_264, %dma_start3A_270] : memref<10000x128xf32, #tpu.memory_space<vmem_shared>> -> memref<40x128xf32, #tpu.memory_space<vmem_shared>>
        %dma_start3A_272 = arith.constant 0 : i32
        %dma_start3A_273 = tpu.memref_slice %arg9[%mul3A_264, %dma_start3A_272] : memref<10000x128xf32, #tpu.memory_space<vmem_shared>> -> memref<40x128xf32, #tpu.memory_space<vmem_shared>>
        %dma_start3A_274 = arith.constant 0 : i32
        %dma_start3A_275 = arith.constant 0 : i32
        %dma_start3A_276 = tpu.memref_slice %arg8[%run_scoped3A, %dma_start3A_274, %dma_start3A_275] : memref<6x40x128xf32, #tpu.memory_space<vmem>> -> memref<1x40x128xf32, #tpu.memory_space<vmem>>
        %dma_start3A_277 = tpu.memref_squeeze %dma_start3A_276 : memref<1x40x128xf32, #tpu.memory_space<vmem>> -> memref<40x128xf32, #tpu.memory_space<vmem>>
        tpu.enqueue_dma source(%dma_start3A_277 : memref<40x128xf32, #tpu.memory_space<vmem>>) target(%dma_start3A_273 : memref<40x128xf32, #tpu.memory_space<vmem_shared>>) target_semaphore(%run_scoped3A_265 : memref<!tpu.dma_semaphore, #tpu.memory_space<semaphore_mem>>)
        %dma_wait3A = arith.constant 0 : i32
        %dma_wait3A_278 = arith.constant 0 : i32
        %dma_wait3A_279 = tpu.memref_slice %arg8[%run_scoped3A, %dma_wait3A, %dma_wait3A_278] : memref<6x40x128xf32, #tpu.memory_space<vmem>> -> memref<1x40x128xf32, #tpu.memory_space<vmem>>
        %dma_wait3A_280 = tpu.memref_squeeze %dma_wait3A_279 : memref<1x40x128xf32, #tpu.memory_space<vmem>> -> memref<40x128xf32, #tpu.memory_space<vmem>>
        %dma_wait3A_281 = arith.constant 0 : i32
        %dma_wait3A_282 = tpu.memref_slice %arg9[%mul3A_264, %dma_wait3A_281] : memref<10000x128xf32, #tpu.memory_space<vmem_shared>> -> memref<40x128xf32, #tpu.memory_space<vmem_shared>>
        %dma_wait3A_283 = arith.constant 0 : i32
        %dma_wait3A_284 = tpu.memref_slice %arg9[%mul3A_264, %dma_wait3A_283] : memref<10000x128xf32, #tpu.memory_space<vmem_shared>> -> memref<40x128xf32, #tpu.memory_space<vmem_shared>>
        %dma_wait3A_285 = arith.constant 0 : i32
        %dma_wait3A_286 = arith.constant 0 : i32
        %dma_wait3A_287 = tpu.memref_slice %arg8[%run_scoped3A, %dma_wait3A_285, %dma_wait3A_286] : memref<6x40x128xf32, #tpu.memory_space<vmem>> -> memref<1x40x128xf32, #tpu.memory_space<vmem>>
        %dma_wait3A_288 = tpu.memref_squeeze %dma_wait3A_287 : memref<1x40x128xf32, #tpu.memory_space<vmem>> -> memref<40x128xf32, #tpu.memory_space<vmem>>
        tpu.wait_dma2 semaphore(%run_scoped3A_265 : memref<!tpu.dma_semaphore, #tpu.memory_space<semaphore_mem>>) src(%dma_wait3A_288 : memref<40x128xf32, #tpu.memory_space<vmem>>) dst(%dma_wait3A_284 : memref<40x128xf32, #tpu.memory_space<vmem_shared>>)
        tpu.yield
      }) : () -> ()
    } else {
    }
    %add3A_85 = arith.constant 192 : i32
    %add3A_86 = arith.addi %add3A_85, %arg1 : i32
    %lt3A_87 = arith.constant 250 : i32
    %lt3A_88 = arith.cmpi slt, %add3A_86, %lt3A_87 : i32
    %convert_element_type3A_89 = arith.extui %lt3A_88 : i1 to i32
    %cond3A_90 = arith.constant 0 : i32
    %cond3A_91 = arith.cmpi ne, %convert_element_type3A_89, %cond3A_90 : i32
    scf.if %cond3A_91 {
      %mul3A = arith.constant 40 : i32
      %mul3A_264 = arith.muli %add3A_86, %mul3A : i32
      %run_scoped3A = arith.constant 0 : i32
      "tpu.region"() ({
        %run_scoped3A_265 = tpu.sem_alloc : memref<!tpu.dma_semaphore, #tpu.memory_space<semaphore_mem>>
        %dma_start3A_266 = arith.constant 0 : i32
        %dma_start3A_267 = arith.constant 0 : i32
        %dma_start3A_268 = tpu.memref_slice %arg8[%run_scoped3A, %dma_start3A_266, %dma_start3A_267] : memref<6x40x128xf32, #tpu.memory_space<vmem>> -> memref<1x40x128xf32, #tpu.memory_space<vmem>>
        %dma_start3A_269 = tpu.memref_squeeze %dma_start3A_268 : memref<1x40x128xf32, #tpu.memory_space<vmem>> -> memref<40x128xf32, #tpu.memory_space<vmem>>
        %dma_start3A_270 = arith.constant 0 : i32
        %dma_start3A_271 = tpu.memref_slice %arg9[%mul3A_264, %dma_start3A_270] : memref<10000x128xf32, #tpu.memory_space<vmem_shared>> -> memref<40x128xf32, #tpu.memory_space<vmem_shared>>
        %dma_start3A_272 = arith.constant 0 : i32
        %dma_start3A_273 = tpu.memref_slice %arg9[%mul3A_264, %dma_start3A_272] : memref<10000x128xf32, #tpu.memory_space<vmem_shared>> -> memref<40x128xf32, #tpu.memory_space<vmem_shared>>
        %dma_start3A_274 = arith.constant 0 : i32
        %dma_start3A_275 = arith.constant 0 : i32
        %dma_start3A_276 = tpu.memref_slice %arg8[%run_scoped3A, %dma_start3A_274, %dma_start3A_275] : memref<6x40x128xf32, #tpu.memory_space<vmem>> -> memref<1x40x128xf32, #tpu.memory_space<vmem>>
        %dma_start3A_277 = tpu.memref_squeeze %dma_start3A_276 : memref<1x40x128xf32, #tpu.memory_space<vmem>> -> memref<40x128xf32, #tpu.memory_space<vmem>>
        tpu.enqueue_dma source(%dma_start3A_277 : memref<40x128xf32, #tpu.memory_space<vmem>>) target(%dma_start3A_273 : memref<40x128xf32, #tpu.memory_space<vmem_shared>>) target_semaphore(%run_scoped3A_265 : memref<!tpu.dma_semaphore, #tpu.memory_space<semaphore_mem>>)
        %dma_wait3A = arith.constant 0 : i32
        %dma_wait3A_278 = arith.constant 0 : i32
        %dma_wait3A_279 = tpu.memref_slice %arg8[%run_scoped3A, %dma_wait3A, %dma_wait3A_278] : memref<6x40x128xf32, #tpu.memory_space<vmem>> -> memref<1x40x128xf32, #tpu.memory_space<vmem>>
        %dma_wait3A_280 = tpu.memref_squeeze %dma_wait3A_279 : memref<1x40x128xf32, #tpu.memory_space<vmem>> -> memref<40x128xf32, #tpu.memory_space<vmem>>
        %dma_wait3A_281 = arith.constant 0 : i32
        %dma_wait3A_282 = tpu.memref_slice %arg9[%mul3A_264, %dma_wait3A_281] : memref<10000x128xf32, #tpu.memory_space<vmem_shared>> -> memref<40x128xf32, #tpu.memory_space<vmem_shared>>
        %dma_wait3A_283 = arith.constant 0 : i32
        %dma_wait3A_284 = tpu.memref_slice %arg9[%mul3A_264, %dma_wait3A_283] : memref<10000x128xf32, #tpu.memory_space<vmem_shared>> -> memref<40x128xf32, #tpu.memory_space<vmem_shared>>
        %dma_wait3A_285 = arith.constant 0 : i32
        %dma_wait3A_286 = arith.constant 0 : i32
        %dma_wait3A_287 = tpu.memref_slice %arg8[%run_scoped3A, %dma_wait3A_285, %dma_wait3A_286] : memref<6x40x128xf32, #tpu.memory_space<vmem>> -> memref<1x40x128xf32, #tpu.memory_space<vmem>>
        %dma_wait3A_288 = tpu.memref_squeeze %dma_wait3A_287 : memref<1x40x128xf32, #tpu.memory_space<vmem>> -> memref<40x128xf32, #tpu.memory_space<vmem>>
        tpu.wait_dma2 semaphore(%run_scoped3A_265 : memref<!tpu.dma_semaphore, #tpu.memory_space<semaphore_mem>>) src(%dma_wait3A_288 : memref<40x128xf32, #tpu.memory_space<vmem>>) dst(%dma_wait3A_284 : memref<40x128xf32, #tpu.memory_space<vmem_shared>>)
        tpu.yield
      }) : () -> ()
    } else {
    }
    %add3A_92 = arith.constant 208 : i32
    %add3A_93 = arith.addi %add3A_92, %arg1 : i32
    %lt3A_94 = arith.constant 250 : i32
    %lt3A_95 = arith.cmpi slt, %add3A_93, %lt3A_94 : i32
    %convert_element_type3A_96 = arith.extui %lt3A_95 : i1 to i32
    %cond3A_97 = arith.constant 0 : i32
    %cond3A_98 = arith.cmpi ne, %convert_element_type3A_96, %cond3A_97 : i32
    scf.if %cond3A_98 {
      %mul3A = arith.constant 40 : i32
      %mul3A_264 = arith.muli %add3A_93, %mul3A : i32
      %run_scoped3A = arith.constant 0 : i32
      "tpu.region"() ({
        %run_scoped3A_265 = tpu.sem_alloc : memref<!tpu.dma_semaphore, #tpu.memory_space<semaphore_mem>>
        %dma_start3A_266 = arith.constant 0 : i32
        %dma_start3A_267 = arith.constant 0 : i32
        %dma_start3A_268 = tpu.memref_slice %arg8[%run_scoped3A, %dma_start3A_266, %dma_start3A_267] : memref<6x40x128xf32, #tpu.memory_space<vmem>> -> memref<1x40x128xf32, #tpu.memory_space<vmem>>
        %dma_start3A_269 = tpu.memref_squeeze %dma_start3A_268 : memref<1x40x128xf32, #tpu.memory_space<vmem>> -> memref<40x128xf32, #tpu.memory_space<vmem>>
        %dma_start3A_270 = arith.constant 0 : i32
        %dma_start3A_271 = tpu.memref_slice %arg9[%mul3A_264, %dma_start3A_270] : memref<10000x128xf32, #tpu.memory_space<vmem_shared>> -> memref<40x128xf32, #tpu.memory_space<vmem_shared>>
        %dma_start3A_272 = arith.constant 0 : i32
        %dma_start3A_273 = tpu.memref_slice %arg9[%mul3A_264, %dma_start3A_272] : memref<10000x128xf32, #tpu.memory_space<vmem_shared>> -> memref<40x128xf32, #tpu.memory_space<vmem_shared>>
        %dma_start3A_274 = arith.constant 0 : i32
        %dma_start3A_275 = arith.constant 0 : i32
        %dma_start3A_276 = tpu.memref_slice %arg8[%run_scoped3A, %dma_start3A_274, %dma_start3A_275] : memref<6x40x128xf32, #tpu.memory_space<vmem>> -> memref<1x40x128xf32, #tpu.memory_space<vmem>>
        %dma_start3A_277 = tpu.memref_squeeze %dma_start3A_276 : memref<1x40x128xf32, #tpu.memory_space<vmem>> -> memref<40x128xf32, #tpu.memory_space<vmem>>
        tpu.enqueue_dma source(%dma_start3A_277 : memref<40x128xf32, #tpu.memory_space<vmem>>) target(%dma_start3A_273 : memref<40x128xf32, #tpu.memory_space<vmem_shared>>) target_semaphore(%run_scoped3A_265 : memref<!tpu.dma_semaphore, #tpu.memory_space<semaphore_mem>>)
        %dma_wait3A = arith.constant 0 : i32
        %dma_wait3A_278 = arith.constant 0 : i32
        %dma_wait3A_279 = tpu.memref_slice %arg8[%run_scoped3A, %dma_wait3A, %dma_wait3A_278] : memref<6x40x128xf32, #tpu.memory_space<vmem>> -> memref<1x40x128xf32, #tpu.memory_space<vmem>>
        %dma_wait3A_280 = tpu.memref_squeeze %dma_wait3A_279 : memref<1x40x128xf32, #tpu.memory_space<vmem>> -> memref<40x128xf32, #tpu.memory_space<vmem>>
        %dma_wait3A_281 = arith.constant 0 : i32
        %dma_wait3A_282 = tpu.memref_slice %arg9[%mul3A_264, %dma_wait3A_281] : memref<10000x128xf32, #tpu.memory_space<vmem_shared>> -> memref<40x128xf32, #tpu.memory_space<vmem_shared>>
        %dma_wait3A_283 = arith.constant 0 : i32
        %dma_wait3A_284 = tpu.memref_slice %arg9[%mul3A_264, %dma_wait3A_283] : memref<10000x128xf32, #tpu.memory_space<vmem_shared>> -> memref<40x128xf32, #tpu.memory_space<vmem_shared>>
        %dma_wait3A_285 = arith.constant 0 : i32
        %dma_wait3A_286 = arith.constant 0 : i32
        %dma_wait3A_287 = tpu.memref_slice %arg8[%run_scoped3A, %dma_wait3A_285, %dma_wait3A_286] : memref<6x40x128xf32, #tpu.memory_space<vmem>> -> memref<1x40x128xf32, #tpu.memory_space<vmem>>
        %dma_wait3A_288 = tpu.memref_squeeze %dma_wait3A_287 : memref<1x40x128xf32, #tpu.memory_space<vmem>> -> memref<40x128xf32, #tpu.memory_space<vmem>>
        tpu.wait_dma2 semaphore(%run_scoped3A_265 : memref<!tpu.dma_semaphore, #tpu.memory_space<semaphore_mem>>) src(%dma_wait3A_288 : memref<40x128xf32, #tpu.memory_space<vmem>>) dst(%dma_wait3A_284 : memref<40x128xf32, #tpu.memory_space<vmem_shared>>)
        tpu.yield
      }) : () -> ()
    } else {
    }
    %add3A_99 = arith.constant 224 : i32
    %add3A_100 = arith.addi %add3A_99, %arg1 : i32
    %lt3A_101 = arith.constant 250 : i32
    %lt3A_102 = arith.cmpi slt, %add3A_100, %lt3A_101 : i32
    %convert_element_type3A_103 = arith.extui %lt3A_102 : i1 to i32
    %cond3A_104 = arith.constant 0 : i32
    %cond3A_105 = arith.cmpi ne, %convert_element_type3A_103, %cond3A_104 : i32
    scf.if %cond3A_105 {
      %mul3A = arith.constant 40 : i32
      %mul3A_264 = arith.muli %add3A_100, %mul3A : i32
      %run_scoped3A = arith.constant 0 : i32
      "tpu.region"() ({
        %run_scoped3A_265 = tpu.sem_alloc : memref<!tpu.dma_semaphore, #tpu.memory_space<semaphore_mem>>
        %dma_start3A_266 = arith.constant 0 : i32
        %dma_start3A_267 = arith.constant 0 : i32
        %dma_start3A_268 = tpu.memref_slice %arg8[%run_scoped3A, %dma_start3A_266, %dma_start3A_267] : memref<6x40x128xf32, #tpu.memory_space<vmem>> -> memref<1x40x128xf32, #tpu.memory_space<vmem>>
        %dma_start3A_269 = tpu.memref_squeeze %dma_start3A_268 : memref<1x40x128xf32, #tpu.memory_space<vmem>> -> memref<40x128xf32, #tpu.memory_space<vmem>>
        %dma_start3A_270 = arith.constant 0 : i32
        %dma_start3A_271 = tpu.memref_slice %arg9[%mul3A_264, %dma_start3A_270] : memref<10000x128xf32, #tpu.memory_space<vmem_shared>> -> memref<40x128xf32, #tpu.memory_space<vmem_shared>>
        %dma_start3A_272 = arith.constant 0 : i32
        %dma_start3A_273 = tpu.memref_slice %arg9[%mul3A_264, %dma_start3A_272] : memref<10000x128xf32, #tpu.memory_space<vmem_shared>> -> memref<40x128xf32, #tpu.memory_space<vmem_shared>>
        %dma_start3A_274 = arith.constant 0 : i32
        %dma_start3A_275 = arith.constant 0 : i32
        %dma_start3A_276 = tpu.memref_slice %arg8[%run_scoped3A, %dma_start3A_274, %dma_start3A_275] : memref<6x40x128xf32, #tpu.memory_space<vmem>> -> memref<1x40x128xf32, #tpu.memory_space<vmem>>
        %dma_start3A_277 = tpu.memref_squeeze %dma_start3A_276 : memref<1x40x128xf32, #tpu.memory_space<vmem>> -> memref<40x128xf32, #tpu.memory_space<vmem>>
        tpu.enqueue_dma source(%dma_start3A_277 : memref<40x128xf32, #tpu.memory_space<vmem>>) target(%dma_start3A_273 : memref<40x128xf32, #tpu.memory_space<vmem_shared>>) target_semaphore(%run_scoped3A_265 : memref<!tpu.dma_semaphore, #tpu.memory_space<semaphore_mem>>)
        %dma_wait3A = arith.constant 0 : i32
        %dma_wait3A_278 = arith.constant 0 : i32
        %dma_wait3A_279 = tpu.memref_slice %arg8[%run_scoped3A, %dma_wait3A, %dma_wait3A_278] : memref<6x40x128xf32, #tpu.memory_space<vmem>> -> memref<1x40x128xf32, #tpu.memory_space<vmem>>
        %dma_wait3A_280 = tpu.memref_squeeze %dma_wait3A_279 : memref<1x40x128xf32, #tpu.memory_space<vmem>> -> memref<40x128xf32, #tpu.memory_space<vmem>>
        %dma_wait3A_281 = arith.constant 0 : i32
        %dma_wait3A_282 = tpu.memref_slice %arg9[%mul3A_264, %dma_wait3A_281] : memref<10000x128xf32, #tpu.memory_space<vmem_shared>> -> memref<40x128xf32, #tpu.memory_space<vmem_shared>>
        %dma_wait3A_283 = arith.constant 0 : i32
        %dma_wait3A_284 = tpu.memref_slice %arg9[%mul3A_264, %dma_wait3A_283] : memref<10000x128xf32, #tpu.memory_space<vmem_shared>> -> memref<40x128xf32, #tpu.memory_space<vmem_shared>>
        %dma_wait3A_285 = arith.constant 0 : i32
        %dma_wait3A_286 = arith.constant 0 : i32
        %dma_wait3A_287 = tpu.memref_slice %arg8[%run_scoped3A, %dma_wait3A_285, %dma_wait3A_286] : memref<6x40x128xf32, #tpu.memory_space<vmem>> -> memref<1x40x128xf32, #tpu.memory_space<vmem>>
        %dma_wait3A_288 = tpu.memref_squeeze %dma_wait3A_287 : memref<1x40x128xf32, #tpu.memory_space<vmem>> -> memref<40x128xf32, #tpu.memory_space<vmem>>
        tpu.wait_dma2 semaphore(%run_scoped3A_265 : memref<!tpu.dma_semaphore, #tpu.memory_space<semaphore_mem>>) src(%dma_wait3A_288 : memref<40x128xf32, #tpu.memory_space<vmem>>) dst(%dma_wait3A_284 : memref<40x128xf32, #tpu.memory_space<vmem_shared>>)
        tpu.yield
      }) : () -> ()
    } else {
    }
    %add3A_106 = arith.constant 240 : i32
    %add3A_107 = arith.addi %add3A_106, %arg1 : i32
    %lt3A_108 = arith.constant 250 : i32
    %lt3A_109 = arith.cmpi slt, %add3A_107, %lt3A_108 : i32
    %convert_element_type3A_110 = arith.extui %lt3A_109 : i1 to i32
    %cond3A_111 = arith.constant 0 : i32
    %cond3A_112 = arith.cmpi ne, %convert_element_type3A_110, %cond3A_111 : i32
    scf.if %cond3A_112 {
      %mul3A = arith.constant 40 : i32
      %mul3A_264 = arith.muli %add3A_107, %mul3A : i32
      %run_scoped3A = arith.constant 0 : i32
      "tpu.region"() ({
        %run_scoped3A_265 = tpu.sem_alloc : memref<!tpu.dma_semaphore, #tpu.memory_space<semaphore_mem>>
        %dma_start3A_266 = arith.constant 0 : i32
        %dma_start3A_267 = arith.constant 0 : i32
        %dma_start3A_268 = tpu.memref_slice %arg8[%run_scoped3A, %dma_start3A_266, %dma_start3A_267] : memref<6x40x128xf32, #tpu.memory_space<vmem>> -> memref<1x40x128xf32, #tpu.memory_space<vmem>>
        %dma_start3A_269 = tpu.memref_squeeze %dma_start3A_268 : memref<1x40x128xf32, #tpu.memory_space<vmem>> -> memref<40x128xf32, #tpu.memory_space<vmem>>
        %dma_start3A_270 = arith.constant 0 : i32
        %dma_start3A_271 = tpu.memref_slice %arg9[%mul3A_264, %dma_start3A_270] : memref<10000x128xf32, #tpu.memory_space<vmem_shared>> -> memref<40x128xf32, #tpu.memory_space<vmem_shared>>
        %dma_start3A_272 = arith.constant 0 : i32
        %dma_start3A_273 = tpu.memref_slice %arg9[%mul3A_264, %dma_start3A_272] : memref<10000x128xf32, #tpu.memory_space<vmem_shared>> -> memref<40x128xf32, #tpu.memory_space<vmem_shared>>
        %dma_start3A_274 = arith.constant 0 : i32
        %dma_start3A_275 = arith.constant 0 : i32
        %dma_start3A_276 = tpu.memref_slice %arg8[%run_scoped3A, %dma_start3A_274, %dma_start3A_275] : memref<6x40x128xf32, #tpu.memory_space<vmem>> -> memref<1x40x128xf32, #tpu.memory_space<vmem>>
        %dma_start3A_277 = tpu.memref_squeeze %dma_start3A_276 : memref<1x40x128xf32, #tpu.memory_space<vmem>> -> memref<40x128xf32, #tpu.memory_space<vmem>>
        tpu.enqueue_dma source(%dma_start3A_277 : memref<40x128xf32, #tpu.memory_space<vmem>>) target(%dma_start3A_273 : memref<40x128xf32, #tpu.memory_space<vmem_shared>>) target_semaphore(%run_scoped3A_265 : memref<!tpu.dma_semaphore, #tpu.memory_space<semaphore_mem>>)
        %dma_wait3A = arith.constant 0 : i32
        %dma_wait3A_278 = arith.constant 0 : i32
        %dma_wait3A_279 = tpu.memref_slice %arg8[%run_scoped3A, %dma_wait3A, %dma_wait3A_278] : memref<6x40x128xf32, #tpu.memory_space<vmem>> -> memref<1x40x128xf32, #tpu.memory_space<vmem>>
        %dma_wait3A_280 = tpu.memref_squeeze %dma_wait3A_279 : memref<1x40x128xf32, #tpu.memory_space<vmem>> -> memref<40x128xf32, #tpu.memory_space<vmem>>
        %dma_wait3A_281 = arith.constant 0 : i32
        %dma_wait3A_282 = tpu.memref_slice %arg9[%mul3A_264, %dma_wait3A_281] : memref<10000x128xf32, #tpu.memory_space<vmem_shared>> -> memref<40x128xf32, #tpu.memory_space<vmem_shared>>
        %dma_wait3A_283 = arith.constant 0 : i32
        %dma_wait3A_284 = tpu.memref_slice %arg9[%mul3A_264, %dma_wait3A_283] : memref<10000x128xf32, #tpu.memory_space<vmem_shared>> -> memref<40x128xf32, #tpu.memory_space<vmem_shared>>
        %dma_wait3A_285 = arith.constant 0 : i32
        %dma_wait3A_286 = arith.constant 0 : i32
        %dma_wait3A_287 = tpu.memref_slice %arg8[%run_scoped3A, %dma_wait3A_285, %dma_wait3A_286] : memref<6x40x128xf32, #tpu.memory_space<vmem>> -> memref<1x40x128xf32, #tpu.memory_space<vmem>>
        %dma_wait3A_288 = tpu.memref_squeeze %dma_wait3A_287 : memref<1x40x128xf32, #tpu.memory_space<vmem>> -> memref<40x128xf32, #tpu.memory_space<vmem>>
        tpu.wait_dma2 semaphore(%run_scoped3A_265 : memref<!tpu.dma_semaphore, #tpu.memory_space<semaphore_mem>>) src(%dma_wait3A_288 : memref<40x128xf32, #tpu.memory_space<vmem>>) dst(%dma_wait3A_284 : memref<40x128xf32, #tpu.memory_space<vmem_shared>>)
        tpu.yield
      }) : () -> ()
    } else {
    }
    %barrier3A = arith.constant 0 : index
    tpu.barrier barrier_id(%barrier3A)
    "tpu.region"() ({
      %run_scoped3A = tpu.sem_alloc : memref<!tpu.dma_semaphore, #tpu.memory_space<semaphore_mem>>
      %dma_start3A_264 = arith.constant 0 : i32
      %dma_start3A_265 = arith.constant 0 : i32
      %dma_start3A_266 = tpu.memref_slice %arg3[%arg0, %arg1, %dma_start3A_264, %dma_start3A_265] : memref<2x16x250x40xi32, #tpu.memory_space<hbm>> -> memref<1x1x250x40xi32, #tpu.memory_space<hbm>>
      %dma_start3A_267 = tpu.memref_squeeze %dma_start3A_266 : memref<1x1x250x40xi32, #tpu.memory_space<hbm>> -> memref<250x40xi32, #tpu.memory_space<hbm>>
      %dma_start3A_268 = arith.constant 0 : i32
      %dma_start3A_269 = arith.constant 0 : i32
      %dma_start3A_270 = tpu.memref_slice %arg3[%arg0, %arg1, %dma_start3A_268, %dma_start3A_269] : memref<2x16x250x40xi32, #tpu.memory_space<hbm>> -> memref<1x1x250x40xi32, #tpu.memory_space<hbm>>
      %dma_start3A_271 = tpu.memref_squeeze %dma_start3A_270 : memref<1x1x250x40xi32, #tpu.memory_space<hbm>> -> memref<250x40xi32, #tpu.memory_space<hbm>>
      tpu.enqueue_dma source(%dma_start3A_271 : memref<250x40xi32, #tpu.memory_space<hbm>>) target(%arg6 : memref<250x40xi32, #tpu.memory_space<vmem>>) target_semaphore(%run_scoped3A : memref<!tpu.dma_semaphore, #tpu.memory_space<semaphore_mem>>)
      %dma_wait3A = arith.constant 0 : i32
      %dma_wait3A_272 = arith.constant 0 : i32
      %dma_wait3A_273 = tpu.memref_slice %arg3[%arg0, %arg1, %dma_wait3A, %dma_wait3A_272] : memref<2x16x250x40xi32, #tpu.memory_space<hbm>> -> memref<1x1x250x40xi32, #tpu.memory_space<hbm>>
      %dma_wait3A_274 = tpu.memref_squeeze %dma_wait3A_273 : memref<1x1x250x40xi32, #tpu.memory_space<hbm>> -> memref<250x40xi32, #tpu.memory_space<hbm>>
      %dma_wait3A_275 = arith.constant 0 : i32
      %dma_wait3A_276 = arith.constant 0 : i32
      %dma_wait3A_277 = tpu.memref_slice %arg3[%arg0, %arg1, %dma_wait3A_275, %dma_wait3A_276] : memref<2x16x250x40xi32, #tpu.memory_space<hbm>> -> memref<1x1x250x40xi32, #tpu.memory_space<hbm>>
      %dma_wait3A_278 = tpu.memref_squeeze %dma_wait3A_277 : memref<1x1x250x40xi32, #tpu.memory_space<hbm>> -> memref<250x40xi32, #tpu.memory_space<hbm>>
      tpu.wait_dma2 semaphore(%run_scoped3A : memref<!tpu.dma_semaphore, #tpu.memory_space<semaphore_mem>>) src(%dma_wait3A_278 : memref<250x40xi32, #tpu.memory_space<hbm>>) dst(%arg6 : memref<250x40xi32, #tpu.memory_space<vmem>>)
      tpu.yield
    }) : () -> ()
    "tpu.region"() ({
      %run_scoped3A = tpu.sem_alloc : memref<!tpu.dma_semaphore, #tpu.memory_space<semaphore_mem>>
      %dma_start3A_264 = arith.constant 0 : i32
      %dma_start3A_265 = arith.constant 0 : i32
      %dma_start3A_266 = tpu.memref_slice %arg4[%arg0, %arg1, %dma_start3A_264, %dma_start3A_265] : memref<2x16x250x40xi32, #tpu.memory_space<hbm>> -> memref<1x1x250x40xi32, #tpu.memory_space<hbm>>
      %dma_start3A_267 = tpu.memref_squeeze %dma_start3A_266 : memref<1x1x250x40xi32, #tpu.memory_space<hbm>> -> memref<250x40xi32, #tpu.memory_space<hbm>>
      %dma_start3A_268 = arith.constant 0 : i32
      %dma_start3A_269 = arith.constant 0 : i32
      %dma_start3A_270 = tpu.memref_slice %arg4[%arg0, %arg1, %dma_start3A_268, %dma_start3A_269] : memref<2x16x250x40xi32, #tpu.memory_space<hbm>> -> memref<1x1x250x40xi32, #tpu.memory_space<hbm>>
      %dma_start3A_271 = tpu.memref_squeeze %dma_start3A_270 : memref<1x1x250x40xi32, #tpu.memory_space<hbm>> -> memref<250x40xi32, #tpu.memory_space<hbm>>
      tpu.enqueue_dma source(%dma_start3A_271 : memref<250x40xi32, #tpu.memory_space<hbm>>) target(%arg7 : memref<250x40xi32, #tpu.memory_space<vmem>>) target_semaphore(%run_scoped3A : memref<!tpu.dma_semaphore, #tpu.memory_space<semaphore_mem>>)
      %dma_wait3A = arith.constant 0 : i32
      %dma_wait3A_272 = arith.constant 0 : i32
      %dma_wait3A_273 = tpu.memref_slice %arg4[%arg0, %arg1, %dma_wait3A, %dma_wait3A_272] : memref<2x16x250x40xi32, #tpu.memory_space<hbm>> -> memref<1x1x250x40xi32, #tpu.memory_space<hbm>>
      %dma_wait3A_274 = tpu.memref_squeeze %dma_wait3A_273 : memref<1x1x250x40xi32, #tpu.memory_space<hbm>> -> memref<250x40xi32, #tpu.memory_space<hbm>>
      %dma_wait3A_275 = arith.constant 0 : i32
      %dma_wait3A_276 = arith.constant 0 : i32
      %dma_wait3A_277 = tpu.memref_slice %arg4[%arg0, %arg1, %dma_wait3A_275, %dma_wait3A_276] : memref<2x16x250x40xi32, #tpu.memory_space<hbm>> -> memref<1x1x250x40xi32, #tpu.memory_space<hbm>>
      %dma_wait3A_278 = tpu.memref_squeeze %dma_wait3A_277 : memref<1x1x250x40xi32, #tpu.memory_space<hbm>> -> memref<250x40xi32, #tpu.memory_space<hbm>>
      tpu.wait_dma2 semaphore(%run_scoped3A : memref<!tpu.dma_semaphore, #tpu.memory_space<semaphore_mem>>) src(%dma_wait3A_278 : memref<250x40xi32, #tpu.memory_space<hbm>>) dst(%arg7 : memref<250x40xi32, #tpu.memory_space<vmem>>)
      tpu.yield
    }) : () -> ()
    %dma_start3A = arith.constant 0 : i32
    %dma_start3A_113 = arith.constant 0 : i32
    %dma_start3A_114 = arith.constant 0 : i32
    %dma_start3A_115 = arith.constant 0 : i32
    %dma_start3A_116 = arith.constant 0 : i32
    %dma_start3A_117 = tpu.memref_slice %arg8[%dma_start3A_113, %dma_start3A_115, %dma_start3A_116] : memref<6x40x128xf32, #tpu.memory_space<vmem>> -> memref<1x40x128xf32, #tpu.memory_space<vmem>>
    %dma_start3A_118 = tpu.memref_squeeze %dma_start3A_117 : memref<1x40x128xf32, #tpu.memory_space<vmem>> -> memref<40x128xf32, #tpu.memory_space<vmem>>
    %dma_start3A_119 = arith.constant 0 : i32
    %dma_start3A_120 = tpu.memref_slice %arg6[%dma_start3A, %dma_start3A_119] : memref<250x40xi32, #tpu.memory_space<vmem>> -> memref<1x40xi32, #tpu.memory_space<vmem>>
    %dma_start3A_121 = tpu.memref_squeeze %dma_start3A_120 : memref<1x40xi32, #tpu.memory_space<vmem>> -> memref<40xi32, #tpu.memory_space<vmem>>
    %dma_start3A_122 = arith.constant 0 : i32
    %dma_start3A_123 = arith.constant 0 : i32
    %dma_start3A_124 = tpu.memref_slice %arg2[%dma_start3A_122, %dma_start3A_123] : memref<10000x128xf32, #tpu.memory_space<hbm>> -> memref<10000x128xf32, #tpu.memory_space<hbm>>
    %dma_start3A_125 = tpu.memref_slice %arg10[%dma_start3A_114] : memref<6x!tpu.dma_semaphore, #tpu.memory_space<semaphore_mem>> -> memref<1x!tpu.dma_semaphore, #tpu.memory_space<semaphore_mem>>
    %dma_start3A_126 = tpu.memref_squeeze %dma_start3A_125 : memref<1x!tpu.dma_semaphore, #tpu.memory_space<semaphore_mem>> -> memref<!tpu.dma_semaphore, #tpu.memory_space<semaphore_mem>>
    tpu.enqueue_indirect_dma source(%dma_start3A_124 : memref<10000x128xf32, #tpu.memory_space<hbm>>) target(%dma_start3A_118 : memref<40x128xf32, #tpu.memory_space<vmem>>) offsets(%dma_start3A_121 : memref<40xi32, #tpu.memory_space<vmem>>) semaphore(%dma_start3A_126 : memref<!tpu.dma_semaphore, #tpu.memory_space<semaphore_mem>>)
    %dma_start3A_127 = arith.constant 1 : i32
    %dma_start3A_128 = arith.constant 1 : i32
    %dma_start3A_129 = arith.constant 1 : i32
    %dma_start3A_130 = arith.constant 0 : i32
    %dma_start3A_131 = arith.constant 0 : i32
    %dma_start3A_132 = tpu.memref_slice %arg8[%dma_start3A_128, %dma_start3A_130, %dma_start3A_131] : memref<6x40x128xf32, #tpu.memory_space<vmem>> -> memref<1x40x128xf32, #tpu.memory_space<vmem>>
    %dma_start3A_133 = tpu.memref_squeeze %dma_start3A_132 : memref<1x40x128xf32, #tpu.memory_space<vmem>> -> memref<40x128xf32, #tpu.memory_space<vmem>>
    %dma_start3A_134 = arith.constant 0 : i32
    %dma_start3A_135 = tpu.memref_slice %arg6[%dma_start3A_127, %dma_start3A_134] : memref<250x40xi32, #tpu.memory_space<vmem>> -> memref<1x40xi32, #tpu.memory_space<vmem>>
    %dma_start3A_136 = tpu.memref_squeeze %dma_start3A_135 : memref<1x40xi32, #tpu.memory_space<vmem>> -> memref<40xi32, #tpu.memory_space<vmem>>
    %dma_start3A_137 = arith.constant 0 : i32
    %dma_start3A_138 = arith.constant 0 : i32
    %dma_start3A_139 = tpu.memref_slice %arg2[%dma_start3A_137, %dma_start3A_138] : memref<10000x128xf32, #tpu.memory_space<hbm>> -> memref<10000x128xf32, #tpu.memory_space<hbm>>
    %dma_start3A_140 = tpu.memref_slice %arg10[%dma_start3A_129] : memref<6x!tpu.dma_semaphore, #tpu.memory_space<semaphore_mem>> -> memref<1x!tpu.dma_semaphore, #tpu.memory_space<semaphore_mem>>
    %dma_start3A_141 = tpu.memref_squeeze %dma_start3A_140 : memref<1x!tpu.dma_semaphore, #tpu.memory_space<semaphore_mem>> -> memref<!tpu.dma_semaphore, #tpu.memory_space<semaphore_mem>>
    tpu.enqueue_indirect_dma source(%dma_start3A_139 : memref<10000x128xf32, #tpu.memory_space<hbm>>) target(%dma_start3A_133 : memref<40x128xf32, #tpu.memory_space<vmem>>) offsets(%dma_start3A_136 : memref<40xi32, #tpu.memory_space<vmem>>) semaphore(%dma_start3A_141 : memref<!tpu.dma_semaphore, #tpu.memory_space<semaphore_mem>>)
    %dma_start3A_142 = arith.constant 2 : i32
    %dma_start3A_143 = arith.constant 2 : i32
    %dma_start3A_144 = arith.constant 2 : i32
    %dma_start3A_145 = arith.constant 0 : i32
    %dma_start3A_146 = arith.constant 0 : i32
    %dma_start3A_147 = tpu.memref_slice %arg8[%dma_start3A_143, %dma_start3A_145, %dma_start3A_146] : memref<6x40x128xf32, #tpu.memory_space<vmem>> -> memref<1x40x128xf32, #tpu.memory_space<vmem>>
    %dma_start3A_148 = tpu.memref_squeeze %dma_start3A_147 : memref<1x40x128xf32, #tpu.memory_space<vmem>> -> memref<40x128xf32, #tpu.memory_space<vmem>>
    %dma_start3A_149 = arith.constant 0 : i32
    %dma_start3A_150 = tpu.memref_slice %arg6[%dma_start3A_142, %dma_start3A_149] : memref<250x40xi32, #tpu.memory_space<vmem>> -> memref<1x40xi32, #tpu.memory_space<vmem>>
    %dma_start3A_151 = tpu.memref_squeeze %dma_start3A_150 : memref<1x40xi32, #tpu.memory_space<vmem>> -> memref<40xi32, #tpu.memory_space<vmem>>
    %dma_start3A_152 = arith.constant 0 : i32
    %dma_start3A_153 = arith.constant 0 : i32
    %dma_start3A_154 = tpu.memref_slice %arg2[%dma_start3A_152, %dma_start3A_153] : memref<10000x128xf32, #tpu.memory_space<hbm>> -> memref<10000x128xf32, #tpu.memory_space<hbm>>
    %dma_start3A_155 = tpu.memref_slice %arg10[%dma_start3A_144] : memref<6x!tpu.dma_semaphore, #tpu.memory_space<semaphore_mem>> -> memref<1x!tpu.dma_semaphore, #tpu.memory_space<semaphore_mem>>
    %dma_start3A_156 = tpu.memref_squeeze %dma_start3A_155 : memref<1x!tpu.dma_semaphore, #tpu.memory_space<semaphore_mem>> -> memref<!tpu.dma_semaphore, #tpu.memory_space<semaphore_mem>>
    tpu.enqueue_indirect_dma source(%dma_start3A_154 : memref<10000x128xf32, #tpu.memory_space<hbm>>) target(%dma_start3A_148 : memref<40x128xf32, #tpu.memory_space<vmem>>) offsets(%dma_start3A_151 : memref<40xi32, #tpu.memory_space<vmem>>) semaphore(%dma_start3A_156 : memref<!tpu.dma_semaphore, #tpu.memory_space<semaphore_mem>>)
    %dma_start3A_157 = arith.constant 3 : i32
    %dma_start3A_158 = arith.constant 3 : i32
    %dma_start3A_159 = arith.constant 3 : i32
    %dma_start3A_160 = arith.constant 0 : i32
    %dma_start3A_161 = arith.constant 0 : i32
    %dma_start3A_162 = tpu.memref_slice %arg8[%dma_start3A_158, %dma_start3A_160, %dma_start3A_161] : memref<6x40x128xf32, #tpu.memory_space<vmem>> -> memref<1x40x128xf32, #tpu.memory_space<vmem>>
    %dma_start3A_163 = tpu.memref_squeeze %dma_start3A_162 : memref<1x40x128xf32, #tpu.memory_space<vmem>> -> memref<40x128xf32, #tpu.memory_space<vmem>>
    %dma_start3A_164 = arith.constant 0 : i32
    %dma_start3A_165 = tpu.memref_slice %arg6[%dma_start3A_157, %dma_start3A_164] : memref<250x40xi32, #tpu.memory_space<vmem>> -> memref<1x40xi32, #tpu.memory_space<vmem>>
    %dma_start3A_166 = tpu.memref_squeeze %dma_start3A_165 : memref<1x40xi32, #tpu.memory_space<vmem>> -> memref<40xi32, #tpu.memory_space<vmem>>
    %dma_start3A_167 = arith.constant 0 : i32
    %dma_start3A_168 = arith.constant 0 : i32
    %dma_start3A_169 = tpu.memref_slice %arg2[%dma_start3A_167, %dma_start3A_168] : memref<10000x128xf32, #tpu.memory_space<hbm>> -> memref<10000x128xf32, #tpu.memory_space<hbm>>
    %dma_start3A_170 = tpu.memref_slice %arg10[%dma_start3A_159] : memref<6x!tpu.dma_semaphore, #tpu.memory_space<semaphore_mem>> -> memref<1x!tpu.dma_semaphore, #tpu.memory_space<semaphore_mem>>
    %dma_start3A_171 = tpu.memref_squeeze %dma_start3A_170 : memref<1x!tpu.dma_semaphore, #tpu.memory_space<semaphore_mem>> -> memref<!tpu.dma_semaphore, #tpu.memory_space<semaphore_mem>>
    tpu.enqueue_indirect_dma source(%dma_start3A_169 : memref<10000x128xf32, #tpu.memory_space<hbm>>) target(%dma_start3A_163 : memref<40x128xf32, #tpu.memory_space<vmem>>) offsets(%dma_start3A_166 : memref<40xi32, #tpu.memory_space<vmem>>) semaphore(%dma_start3A_171 : memref<!tpu.dma_semaphore, #tpu.memory_space<semaphore_mem>>)
    %dma_start3A_172 = arith.constant 4 : i32
    %dma_start3A_173 = arith.constant 4 : i32
    %dma_start3A_174 = arith.constant 4 : i32
    %dma_start3A_175 = arith.constant 0 : i32
    %dma_start3A_176 = arith.constant 0 : i32
    %dma_start3A_177 = tpu.memref_slice %arg8[%dma_start3A_173, %dma_start3A_175, %dma_start3A_176] : memref<6x40x128xf32, #tpu.memory_space<vmem>> -> memref<1x40x128xf32, #tpu.memory_space<vmem>>
    %dma_start3A_178 = tpu.memref_squeeze %dma_start3A_177 : memref<1x40x128xf32, #tpu.memory_space<vmem>> -> memref<40x128xf32, #tpu.memory_space<vmem>>
    %dma_start3A_179 = arith.constant 0 : i32
    %dma_start3A_180 = tpu.memref_slice %arg6[%dma_start3A_172, %dma_start3A_179] : memref<250x40xi32, #tpu.memory_space<vmem>> -> memref<1x40xi32, #tpu.memory_space<vmem>>
    %dma_start3A_181 = tpu.memref_squeeze %dma_start3A_180 : memref<1x40xi32, #tpu.memory_space<vmem>> -> memref<40xi32, #tpu.memory_space<vmem>>
    %dma_start3A_182 = arith.constant 0 : i32
    %dma_start3A_183 = arith.constant 0 : i32
    %dma_start3A_184 = tpu.memref_slice %arg2[%dma_start3A_182, %dma_start3A_183] : memref<10000x128xf32, #tpu.memory_space<hbm>> -> memref<10000x128xf32, #tpu.memory_space<hbm>>
    %dma_start3A_185 = tpu.memref_slice %arg10[%dma_start3A_174] : memref<6x!tpu.dma_semaphore, #tpu.memory_space<semaphore_mem>> -> memref<1x!tpu.dma_semaphore, #tpu.memory_space<semaphore_mem>>
    %dma_start3A_186 = tpu.memref_squeeze %dma_start3A_185 : memref<1x!tpu.dma_semaphore, #tpu.memory_space<semaphore_mem>> -> memref<!tpu.dma_semaphore, #tpu.memory_space<semaphore_mem>>
    tpu.enqueue_indirect_dma source(%dma_start3A_184 : memref<10000x128xf32, #tpu.memory_space<hbm>>) target(%dma_start3A_178 : memref<40x128xf32, #tpu.memory_space<vmem>>) offsets(%dma_start3A_181 : memref<40xi32, #tpu.memory_space<vmem>>) semaphore(%dma_start3A_186 : memref<!tpu.dma_semaphore, #tpu.memory_space<semaphore_mem>>)
    %dma_start3A_187 = arith.constant 5 : i32
    %dma_start3A_188 = arith.constant 5 : i32
    %dma_start3A_189 = arith.constant 5 : i32
    %dma_start3A_190 = arith.constant 0 : i32
    %dma_start3A_191 = arith.constant 0 : i32
    %dma_start3A_192 = tpu.memref_slice %arg8[%dma_start3A_188, %dma_start3A_190, %dma_start3A_191] : memref<6x40x128xf32, #tpu.memory_space<vmem>> -> memref<1x40x128xf32, #tpu.memory_space<vmem>>
    %dma_start3A_193 = tpu.memref_squeeze %dma_start3A_192 : memref<1x40x128xf32, #tpu.memory_space<vmem>> -> memref<40x128xf32, #tpu.memory_space<vmem>>
    %dma_start3A_194 = arith.constant 0 : i32
    %dma_start3A_195 = tpu.memref_slice %arg6[%dma_start3A_187, %dma_start3A_194] : memref<250x40xi32, #tpu.memory_space<vmem>> -> memref<1x40xi32, #tpu.memory_space<vmem>>
    %dma_start3A_196 = tpu.memref_squeeze %dma_start3A_195 : memref<1x40xi32, #tpu.memory_space<vmem>> -> memref<40xi32, #tpu.memory_space<vmem>>
    %dma_start3A_197 = arith.constant 0 : i32
    %dma_start3A_198 = arith.constant 0 : i32
    %dma_start3A_199 = tpu.memref_slice %arg2[%dma_start3A_197, %dma_start3A_198] : memref<10000x128xf32, #tpu.memory_space<hbm>> -> memref<10000x128xf32, #tpu.memory_space<hbm>>
    %dma_start3A_200 = tpu.memref_slice %arg10[%dma_start3A_189] : memref<6x!tpu.dma_semaphore, #tpu.memory_space<semaphore_mem>> -> memref<1x!tpu.dma_semaphore, #tpu.memory_space<semaphore_mem>>
    %dma_start3A_201 = tpu.memref_squeeze %dma_start3A_200 : memref<1x!tpu.dma_semaphore, #tpu.memory_space<semaphore_mem>> -> memref<!tpu.dma_semaphore, #tpu.memory_space<semaphore_mem>>
    tpu.enqueue_indirect_dma source(%dma_start3A_199 : memref<10000x128xf32, #tpu.memory_space<hbm>>) target(%dma_start3A_193 : memref<40x128xf32, #tpu.memory_space<vmem>>) offsets(%dma_start3A_196 : memref<40xi32, #tpu.memory_space<vmem>>) semaphore(%dma_start3A_201 : memref<!tpu.dma_semaphore, #tpu.memory_space<semaphore_mem>>)
    %scan3A_202 = arith.constant 0 : i32
    %scan3A_203 = arith.constant 250 : i32
    %scan3A_204 = arith.addi %scan3A_202, %scan3A_203 : i32
    %scan3A_205 = arith.constant 2 : i32
    scf.for %scan3A_264 = %scan3A_202 to %scan3A_204 step %scan3A_205  : i32 {
      %mul3A = arith.constant 1 : i32
      %mul3A_265 = arith.muli %scan3A_264, %mul3A : i32
      %add3A_266 = arith.constant 0 : i32
      %add3A_267 = arith.addi %add3A_266, %mul3A_265 : i32
      %rem3A = arith.constant 6 : i32
      %rem3A_268 = arith.remsi %add3A_267, %rem3A : i32
      %dma_wait3A = arith.constant 0 : i32
      %dma_wait3A_269 = arith.constant 0 : i32
      %dma_wait3A_270 = tpu.memref_slice %arg8[%rem3A_268, %dma_wait3A, %dma_wait3A_269] : memref<6x40x128xf32, #tpu.memory_space<vmem>> -> memref<1x40x128xf32, #tpu.memory_space<vmem>>
      %dma_wait3A_271 = tpu.memref_squeeze %dma_wait3A_270 : memref<1x40x128xf32, #tpu.memory_space<vmem>> -> memref<40x128xf32, #tpu.memory_space<vmem>>
      %dma_wait3A_272 = arith.constant 0 : i32
      %dma_wait3A_273 = tpu.memref_slice %arg6[%add3A_267, %dma_wait3A_272] : memref<250x40xi32, #tpu.memory_space<vmem>> -> memref<1x40xi32, #tpu.memory_space<vmem>>
      %dma_wait3A_274 = tpu.memref_squeeze %dma_wait3A_273 : memref<1x40xi32, #tpu.memory_space<vmem>> -> memref<40xi32, #tpu.memory_space<vmem>>
      %dma_wait3A_275 = arith.constant 0 : i32
      %dma_wait3A_276 = arith.constant 0 : i32
      %dma_wait3A_277 = tpu.memref_slice %arg2[%dma_wait3A_275, %dma_wait3A_276] : memref<10000x128xf32, #tpu.memory_space<hbm>> -> memref<10000x128xf32, #tpu.memory_space<hbm>>
      %dma_wait3A_278 = tpu.memref_slice %arg10[%rem3A_268] : memref<6x!tpu.dma_semaphore, #tpu.memory_space<semaphore_mem>> -> memref<1x!tpu.dma_semaphore, #tpu.memory_space<semaphore_mem>>
      %dma_wait3A_279 = tpu.memref_squeeze %dma_wait3A_278 : memref<1x!tpu.dma_semaphore, #tpu.memory_space<semaphore_mem>> -> memref<!tpu.dma_semaphore, #tpu.memory_space<semaphore_mem>>
      tpu.wait_indirect_dma semaphore(%dma_wait3A_279 : memref<!tpu.dma_semaphore, #tpu.memory_space<semaphore_mem>>) src(%dma_wait3A_277 : memref<10000x128xf32, #tpu.memory_space<hbm>>) dst(%dma_wait3A_271 : memref<40x128xf32, #tpu.memory_space<vmem>>)
      %dma_start3A_280 = arith.constant 0 : i32
      %dma_start3A_281 = arith.constant 0 : i32
      %dma_start3A_282 = tpu.memref_slice %arg8[%rem3A_268, %dma_start3A_280, %dma_start3A_281] : memref<6x40x128xf32, #tpu.memory_space<vmem>> -> memref<1x40x128xf32, #tpu.memory_space<vmem>>
      %dma_start3A_283 = tpu.memref_squeeze %dma_start3A_282 : memref<1x40x128xf32, #tpu.memory_space<vmem>> -> memref<40x128xf32, #tpu.memory_space<vmem>>
      %dma_start3A_284 = arith.constant 0 : i32
      %dma_start3A_285 = tpu.memref_slice %arg7[%add3A_267, %dma_start3A_284] : memref<250x40xi32, #tpu.memory_space<vmem>> -> memref<1x40xi32, #tpu.memory_space<vmem>>
      %dma_start3A_286 = tpu.memref_squeeze %dma_start3A_285 : memref<1x40xi32, #tpu.memory_space<vmem>> -> memref<40xi32, #tpu.memory_space<vmem>>
      %dma_start3A_287 = arith.constant 0 : i32
      %dma_start3A_288 = arith.constant 0 : i32
      %dma_start3A_289 = tpu.memref_slice %arg9[%dma_start3A_287, %dma_start3A_288] : memref<10000x128xf32, #tpu.memory_space<vmem_shared>> -> memref<10000x128xf32, #tpu.memory_space<vmem_shared>>
      tpu.enqueue_indirect_dma source(%dma_start3A_283 : memref<40x128xf32, #tpu.memory_space<vmem>>) target(%dma_start3A_289 : memref<10000x128xf32, #tpu.memory_space<vmem_shared>>) offsets(%dma_start3A_286 : memref<40xi32, #tpu.memory_space<vmem>>) semaphore(%arg11 : memref<!tpu.dma_semaphore, #tpu.memory_space<semaphore_mem>>) {add = true}
      %dma_wait3A_290 = arith.constant 0 : i32
      %dma_wait3A_291 = arith.constant 0 : i32
      %dma_wait3A_292 = tpu.memref_slice %arg8[%rem3A_268, %dma_wait3A_290, %dma_wait3A_291] : memref<6x40x128xf32, #tpu.memory_space<vmem>> -> memref<1x40x128xf32, #tpu.memory_space<vmem>>
      %dma_wait3A_293 = tpu.memref_squeeze %dma_wait3A_292 : memref<1x40x128xf32, #tpu.memory_space<vmem>> -> memref<40x128xf32, #tpu.memory_space<vmem>>
      %dma_wait3A_294 = arith.constant 0 : i32
      %dma_wait3A_295 = tpu.memref_slice %arg7[%add3A_267, %dma_wait3A_294] : memref<250x40xi32, #tpu.memory_space<vmem>> -> memref<1x40xi32, #tpu.memory_space<vmem>>
      %dma_wait3A_296 = tpu.memref_squeeze %dma_wait3A_295 : memref<1x40xi32, #tpu.memory_space<vmem>> -> memref<40xi32, #tpu.memory_space<vmem>>
      %dma_wait3A_297 = arith.constant 0 : i32
      %dma_wait3A_298 = arith.constant 0 : i32
      %dma_wait3A_299 = tpu.memref_slice %arg9[%dma_wait3A_297, %dma_wait3A_298] : memref<10000x128xf32, #tpu.memory_space<vmem_shared>> -> memref<10000x128xf32, #tpu.memory_space<vmem_shared>>
      tpu.wait_indirect_dma semaphore(%arg11 : memref<!tpu.dma_semaphore, #tpu.memory_space<semaphore_mem>>) src(%dma_wait3A_293 : memref<40x128xf32, #tpu.memory_space<vmem>>) dst(%dma_wait3A_299 : memref<10000x128xf32, #tpu.memory_space<vmem_shared>>)
      %add3A_300 = arith.constant 6 : i32
      %add3A_301 = arith.addi %add3A_267, %add3A_300 : i32
      %lt3A_302 = arith.constant 250 : i32
      %lt3A_303 = arith.cmpi slt, %add3A_301, %lt3A_302 : i32
      %convert_element_type3A_304 = arith.extui %lt3A_303 : i1 to i32
      %cond3A_305 = arith.constant 0 : i32
      %cond3A_306 = arith.cmpi ne, %convert_element_type3A_304, %cond3A_305 : i32
      scf.if %cond3A_306 {
        %dma_start3A_354 = arith.constant 0 : i32
        %dma_start3A_355 = arith.constant 0 : i32
        %dma_start3A_356 = tpu.memref_slice %arg8[%rem3A_268, %dma_start3A_354, %dma_start3A_355] : memref<6x40x128xf32, #tpu.memory_space<vmem>> -> memref<1x40x128xf32, #tpu.memory_space<vmem>>
        %dma_start3A_357 = tpu.memref_squeeze %dma_start3A_356 : memref<1x40x128xf32, #tpu.memory_space<vmem>> -> memref<40x128xf32, #tpu.memory_space<vmem>>
        %dma_start3A_358 = arith.constant 0 : i32
        %dma_start3A_359 = tpu.memref_slice %arg6[%add3A_301, %dma_start3A_358] : memref<250x40xi32, #tpu.memory_space<vmem>> -> memref<1x40xi32, #tpu.memory_space<vmem>>
        %dma_start3A_360 = tpu.memref_squeeze %dma_start3A_359 : memref<1x40xi32, #tpu.memory_space<vmem>> -> memref<40xi32, #tpu.memory_space<vmem>>
        %dma_start3A_361 = arith.constant 0 : i32
        %dma_start3A_362 = arith.constant 0 : i32
        %dma_start3A_363 = tpu.memref_slice %arg2[%dma_start3A_361, %dma_start3A_362] : memref<10000x128xf32, #tpu.memory_space<hbm>> -> memref<10000x128xf32, #tpu.memory_space<hbm>>
        %dma_start3A_364 = tpu.memref_slice %arg10[%rem3A_268] : memref<6x!tpu.dma_semaphore, #tpu.memory_space<semaphore_mem>> -> memref<1x!tpu.dma_semaphore, #tpu.memory_space<semaphore_mem>>
        %dma_start3A_365 = tpu.memref_squeeze %dma_start3A_364 : memref<1x!tpu.dma_semaphore, #tpu.memory_space<semaphore_mem>> -> memref<!tpu.dma_semaphore, #tpu.memory_space<semaphore_mem>>
        tpu.enqueue_indirect_dma source(%dma_start3A_363 : memref<10000x128xf32, #tpu.memory_space<hbm>>) target(%dma_start3A_357 : memref<40x128xf32, #tpu.memory_space<vmem>>) offsets(%dma_start3A_360 : memref<40xi32, #tpu.memory_space<vmem>>) semaphore(%dma_start3A_365 : memref<!tpu.dma_semaphore, #tpu.memory_space<semaphore_mem>>)
      } else {
      }
      %scan3A_307 = arith.constant 1 : i32
      %scan3A_308 = arith.addi %scan3A_264, %scan3A_307 : i32
      %mul3A_309 = arith.constant 1 : i32
      %mul3A_310 = arith.muli %scan3A_308, %mul3A_309 : i32
      %add3A_311 = arith.constant 0 : i32
      %add3A_312 = arith.addi %add3A_311, %mul3A_310 : i32
      %rem3A_313 = arith.constant 6 : i32
      %rem3A_314 = arith.remsi %add3A_312, %rem3A_313 : i32
      %dma_wait3A_315 = arith.constant 0 : i32
      %dma_wait3A_316 = arith.constant 0 : i32
      %dma_wait3A_317 = tpu.memref_slice %arg8[%rem3A_314, %dma_wait3A_315, %dma_wait3A_316] : memref<6x40x128xf32, #tpu.memory_space<vmem>> -> memref<1x40x128xf32, #tpu.memory_space<vmem>>
      %dma_wait3A_318 = tpu.memref_squeeze %dma_wait3A_317 : memref<1x40x128xf32, #tpu.memory_space<vmem>> -> memref<40x128xf32, #tpu.memory_space<vmem>>
      %dma_wait3A_319 = arith.constant 0 : i32
      %dma_wait3A_320 = tpu.memref_slice %arg6[%add3A_312, %dma_wait3A_319] : memref<250x40xi32, #tpu.memory_space<vmem>> -> memref<1x40xi32, #tpu.memory_space<vmem>>
      %dma_wait3A_321 = tpu.memref_squeeze %dma_wait3A_320 : memref<1x40xi32, #tpu.memory_space<vmem>> -> memref<40xi32, #tpu.memory_space<vmem>>
      %dma_wait3A_322 = arith.constant 0 : i32
      %dma_wait3A_323 = arith.constant 0 : i32
      %dma_wait3A_324 = tpu.memref_slice %arg2[%dma_wait3A_322, %dma_wait3A_323] : memref<10000x128xf32, #tpu.memory_space<hbm>> -> memref<10000x128xf32, #tpu.memory_space<hbm>>
      %dma_wait3A_325 = tpu.memref_slice %arg10[%rem3A_314] : memref<6x!tpu.dma_semaphore, #tpu.memory_space<semaphore_mem>> -> memref<1x!tpu.dma_semaphore, #tpu.memory_space<semaphore_mem>>
      %dma_wait3A_326 = tpu.memref_squeeze %dma_wait3A_325 : memref<1x!tpu.dma_semaphore, #tpu.memory_space<semaphore_mem>> -> memref<!tpu.dma_semaphore, #tpu.memory_space<semaphore_mem>>
      tpu.wait_indirect_dma semaphore(%dma_wait3A_326 : memref<!tpu.dma_semaphore, #tpu.memory_space<semaphore_mem>>) src(%dma_wait3A_324 : memref<10000x128xf32, #tpu.memory_space<hbm>>) dst(%dma_wait3A_318 : memref<40x128xf32, #tpu.memory_space<vmem>>)
      %dma_start3A_327 = arith.constant 0 : i32
      %dma_start3A_328 = arith.constant 0 : i32
      %dma_start3A_329 = tpu.memref_slice %arg8[%rem3A_314, %dma_start3A_327, %dma_start3A_328] : memref<6x40x128xf32, #tpu.memory_space<vmem>> -> memref<1x40x128xf32, #tpu.memory_space<vmem>>
      %dma_start3A_330 = tpu.memref_squeeze %dma_start3A_329 : memref<1x40x128xf32, #tpu.memory_space<vmem>> -> memref<40x128xf32, #tpu.memory_space<vmem>>
      %dma_start3A_331 = arith.constant 0 : i32
      %dma_start3A_332 = tpu.memref_slice %arg7[%add3A_312, %dma_start3A_331] : memref<250x40xi32, #tpu.memory_space<vmem>> -> memref<1x40xi32, #tpu.memory_space<vmem>>
      %dma_start3A_333 = tpu.memref_squeeze %dma_start3A_332 : memref<1x40xi32, #tpu.memory_space<vmem>> -> memref<40xi32, #tpu.memory_space<vmem>>
      %dma_start3A_334 = arith.constant 0 : i32
      %dma_start3A_335 = arith.constant 0 : i32
      %dma_start3A_336 = tpu.memref_slice %arg9[%dma_start3A_334, %dma_start3A_335] : memref<10000x128xf32, #tpu.memory_space<vmem_shared>> -> memref<10000x128xf32, #tpu.memory_space<vmem_shared>>
      tpu.enqueue_indirect_dma source(%dma_start3A_330 : memref<40x128xf32, #tpu.memory_space<vmem>>) target(%dma_start3A_336 : memref<10000x128xf32, #tpu.memory_space<vmem_shared>>) offsets(%dma_start3A_333 : memref<40xi32, #tpu.memory_space<vmem>>) semaphore(%arg11 : memref<!tpu.dma_semaphore, #tpu.memory_space<semaphore_mem>>) {add = true}
      %dma_wait3A_337 = arith.constant 0 : i32
      %dma_wait3A_338 = arith.constant 0 : i32
      %dma_wait3A_339 = tpu.memref_slice %arg8[%rem3A_314, %dma_wait3A_337, %dma_wait3A_338] : memref<6x40x128xf32, #tpu.memory_space<vmem>> -> memref<1x40x128xf32, #tpu.memory_space<vmem>>
      %dma_wait3A_340 = tpu.memref_squeeze %dma_wait3A_339 : memref<1x40x128xf32, #tpu.memory_space<vmem>> -> memref<40x128xf32, #tpu.memory_space<vmem>>
      %dma_wait3A_341 = arith.constant 0 : i32
      %dma_wait3A_342 = tpu.memref_slice %arg7[%add3A_312, %dma_wait3A_341] : memref<250x40xi32, #tpu.memory_space<vmem>> -> memref<1x40xi32, #tpu.memory_space<vmem>>
      %dma_wait3A_343 = tpu.memref_squeeze %dma_wait3A_342 : memref<1x40xi32, #tpu.memory_space<vmem>> -> memref<40xi32, #tpu.memory_space<vmem>>
      %dma_wait3A_344 = arith.constant 0 : i32
      %dma_wait3A_345 = arith.constant 0 : i32
      %dma_wait3A_346 = tpu.memref_slice %arg9[%dma_wait3A_344, %dma_wait3A_345] : memref<10000x128xf32, #tpu.memory_space<vmem_shared>> -> memref<10000x128xf32, #tpu.memory_space<vmem_shared>>
      tpu.wait_indirect_dma semaphore(%arg11 : memref<!tpu.dma_semaphore, #tpu.memory_space<semaphore_mem>>) src(%dma_wait3A_340 : memref<40x128xf32, #tpu.memory_space<vmem>>) dst(%dma_wait3A_346 : memref<10000x128xf32, #tpu.memory_space<vmem_shared>>)
      %add3A_347 = arith.constant 6 : i32
      %add3A_348 = arith.addi %add3A_312, %add3A_347 : i32
      %lt3A_349 = arith.constant 250 : i32
      %lt3A_350 = arith.cmpi slt, %add3A_348, %lt3A_349 : i32
      %convert_element_type3A_351 = arith.extui %lt3A_350 : i1 to i32
      %cond3A_352 = arith.constant 0 : i32
      %cond3A_353 = arith.cmpi ne, %convert_element_type3A_351, %cond3A_352 : i32
      scf.if %cond3A_353 {
        %dma_start3A_354 = arith.constant 0 : i32
        %dma_start3A_355 = arith.constant 0 : i32
        %dma_start3A_356 = tpu.memref_slice %arg8[%rem3A_314, %dma_start3A_354, %dma_start3A_355] : memref<6x40x128xf32, #tpu.memory_space<vmem>> -> memref<1x40x128xf32, #tpu.memory_space<vmem>>
        %dma_start3A_357 = tpu.memref_squeeze %dma_start3A_356 : memref<1x40x128xf32, #tpu.memory_space<vmem>> -> memref<40x128xf32, #tpu.memory_space<vmem>>
        %dma_start3A_358 = arith.constant 0 : i32
        %dma_start3A_359 = tpu.memref_slice %arg6[%add3A_348, %dma_start3A_358] : memref<250x40xi32, #tpu.memory_space<vmem>> -> memref<1x40xi32, #tpu.memory_space<vmem>>
        %dma_start3A_360 = tpu.memref_squeeze %dma_start3A_359 : memref<1x40xi32, #tpu.memory_space<vmem>> -> memref<40xi32, #tpu.memory_space<vmem>>
        %dma_start3A_361 = arith.constant 0 : i32
        %dma_start3A_362 = arith.constant 0 : i32
        %dma_start3A_363 = tpu.memref_slice %arg2[%dma_start3A_361, %dma_start3A_362] : memref<10000x128xf32, #tpu.memory_space<hbm>> -> memref<10000x128xf32, #tpu.memory_space<hbm>>
        %dma_start3A_364 = tpu.memref_slice %arg10[%rem3A_314] : memref<6x!tpu.dma_semaphore, #tpu.memory_space<semaphore_mem>> -> memref<1x!tpu.dma_semaphore, #tpu.memory_space<semaphore_mem>>
        %dma_start3A_365 = tpu.memref_squeeze %dma_start3A_364 : memref<1x!tpu.dma_semaphore, #tpu.memory_space<semaphore_mem>> -> memref<!tpu.dma_semaphore, #tpu.memory_space<semaphore_mem>>
        tpu.enqueue_indirect_dma source(%dma_start3A_363 : memref<10000x128xf32, #tpu.memory_space<hbm>>) target(%dma_start3A_357 : memref<40x128xf32, #tpu.memory_space<vmem>>) offsets(%dma_start3A_360 : memref<40xi32, #tpu.memory_space<vmem>>) semaphore(%dma_start3A_365 : memref<!tpu.dma_semaphore, #tpu.memory_space<semaphore_mem>>)
      } else {
      }
    }
    %scan3A_206 = arith.constant 250 : i32
    %barrier3A_207 = arith.constant 0 : index
    tpu.barrier barrier_id(%barrier3A_207)
    %add3A_208 = arith.constant 0 : i32
    %add3A_209 = arith.addi %add3A_208, %arg1 : i32
    %lt3A_210 = arith.constant 125 : i32
    %lt3A_211 = arith.cmpi slt, %add3A_209, %lt3A_210 : i32
    %convert_element_type3A_212 = arith.extui %lt3A_211 : i1 to i32
    %cond3A_213 = arith.constant 0 : i32
    %cond3A_214 = arith.cmpi ne, %convert_element_type3A_212, %cond3A_213 : i32
    scf.if %cond3A_214 {
      %mul3A = arith.constant 80 : i32
      %mul3A_264 = arith.muli %add3A_209, %mul3A : i32
      %mul3A_265 = arith.constant 80 : i32
      %mul3A_266 = arith.muli %add3A_209, %mul3A_265 : i32
      "tpu.region"() ({
        %run_scoped3A = tpu.sem_alloc : memref<!tpu.dma_semaphore, #tpu.memory_space<semaphore_mem>>
        %dma_start3A_267 = arith.constant 0 : i32
        %dma_start3A_268 = tpu.memref_slice %arg5[%arg0, %mul3A_266, %dma_start3A_267] : memref<2x10000x128xf32, #tpu.memory_space<hbm>> -> memref<1x80x128xf32, #tpu.memory_space<hbm>>
        %dma_start3A_269 = tpu.memref_squeeze %dma_start3A_268 : memref<1x80x128xf32, #tpu.memory_space<hbm>> -> memref<80x128xf32, #tpu.memory_space<hbm>>
        %dma_start3A_270 = arith.constant 0 : i32
        %dma_start3A_271 = tpu.memref_slice %arg9[%mul3A_264, %dma_start3A_270] : memref<10000x128xf32, #tpu.memory_space<vmem_shared>> -> memref<80x128xf32, #tpu.memory_space<vmem_shared>>
        tpu.enqueue_dma source(%dma_start3A_271 : memref<80x128xf32, #tpu.memory_space<vmem_shared>>) target(%dma_start3A_269 : memref<80x128xf32, #tpu.memory_space<hbm>>) target_semaphore(%run_scoped3A : memref<!tpu.dma_semaphore, #tpu.memory_space<semaphore_mem>>)
        %dma_wait3A = arith.constant 0 : i32
        %dma_wait3A_272 = tpu.memref_slice %arg5[%arg0, %mul3A_266, %dma_wait3A] : memref<2x10000x128xf32, #tpu.memory_space<hbm>> -> memref<1x80x128xf32, #tpu.memory_space<hbm>>
        %dma_wait3A_273 = tpu.memref_squeeze %dma_wait3A_272 : memref<1x80x128xf32, #tpu.memory_space<hbm>> -> memref<80x128xf32, #tpu.memory_space<hbm>>
        %dma_wait3A_274 = arith.constant 0 : i32
        %dma_wait3A_275 = tpu.memref_slice %arg9[%mul3A_264, %dma_wait3A_274] : memref<10000x128xf32, #tpu.memory_space<vmem_shared>> -> memref<80x128xf32, #tpu.memory_space<vmem_shared>>
        tpu.wait_dma2 semaphore(%run_scoped3A : memref<!tpu.dma_semaphore, #tpu.memory_space<semaphore_mem>>) src(%dma_wait3A_275 : memref<80x128xf32, #tpu.memory_space<vmem_shared>>) dst(%dma_wait3A_273 : memref<80x128xf32, #tpu.memory_space<hbm>>)
        tpu.yield
      }) : () -> ()
    } else {
    }
    %add3A_215 = arith.constant 16 : i32
    %add3A_216 = arith.addi %add3A_215, %arg1 : i32
    %lt3A_217 = arith.constant 125 : i32
    %lt3A_218 = arith.cmpi slt, %add3A_216, %lt3A_217 : i32
    %convert_element_type3A_219 = arith.extui %lt3A_218 : i1 to i32
    %cond3A_220 = arith.constant 0 : i32
    %cond3A_221 = arith.cmpi ne, %convert_element_type3A_219, %cond3A_220 : i32
    scf.if %cond3A_221 {
      %mul3A = arith.constant 80 : i32
      %mul3A_264 = arith.muli %add3A_216, %mul3A : i32
      %mul3A_265 = arith.constant 80 : i32
      %mul3A_266 = arith.muli %add3A_216, %mul3A_265 : i32
      "tpu.region"() ({
        %run_scoped3A = tpu.sem_alloc : memref<!tpu.dma_semaphore, #tpu.memory_space<semaphore_mem>>
        %dma_start3A_267 = arith.constant 0 : i32
        %dma_start3A_268 = tpu.memref_slice %arg5[%arg0, %mul3A_266, %dma_start3A_267] : memref<2x10000x128xf32, #tpu.memory_space<hbm>> -> memref<1x80x128xf32, #tpu.memory_space<hbm>>
        %dma_start3A_269 = tpu.memref_squeeze %dma_start3A_268 : memref<1x80x128xf32, #tpu.memory_space<hbm>> -> memref<80x128xf32, #tpu.memory_space<hbm>>
        %dma_start3A_270 = arith.constant 0 : i32
        %dma_start3A_271 = tpu.memref_slice %arg9[%mul3A_264, %dma_start3A_270] : memref<10000x128xf32, #tpu.memory_space<vmem_shared>> -> memref<80x128xf32, #tpu.memory_space<vmem_shared>>
        tpu.enqueue_dma source(%dma_start3A_271 : memref<80x128xf32, #tpu.memory_space<vmem_shared>>) target(%dma_start3A_269 : memref<80x128xf32, #tpu.memory_space<hbm>>) target_semaphore(%run_scoped3A : memref<!tpu.dma_semaphore, #tpu.memory_space<semaphore_mem>>)
        %dma_wait3A = arith.constant 0 : i32
        %dma_wait3A_272 = tpu.memref_slice %arg5[%arg0, %mul3A_266, %dma_wait3A] : memref<2x10000x128xf32, #tpu.memory_space<hbm>> -> memref<1x80x128xf32, #tpu.memory_space<hbm>>
        %dma_wait3A_273 = tpu.memref_squeeze %dma_wait3A_272 : memref<1x80x128xf32, #tpu.memory_space<hbm>> -> memref<80x128xf32, #tpu.memory_space<hbm>>
        %dma_wait3A_274 = arith.constant 0 : i32
        %dma_wait3A_275 = tpu.memref_slice %arg9[%mul3A_264, %dma_wait3A_274] : memref<10000x128xf32, #tpu.memory_space<vmem_shared>> -> memref<80x128xf32, #tpu.memory_space<vmem_shared>>
        tpu.wait_dma2 semaphore(%run_scoped3A : memref<!tpu.dma_semaphore, #tpu.memory_space<semaphore_mem>>) src(%dma_wait3A_275 : memref<80x128xf32, #tpu.memory_space<vmem_shared>>) dst(%dma_wait3A_273 : memref<80x128xf32, #tpu.memory_space<hbm>>)
        tpu.yield
      }) : () -> ()
    } else {
    }
    %add3A_222 = arith.constant 32 : i32
    %add3A_223 = arith.addi %add3A_222, %arg1 : i32
    %lt3A_224 = arith.constant 125 : i32
    %lt3A_225 = arith.cmpi slt, %add3A_223, %lt3A_224 : i32
    %convert_element_type3A_226 = arith.extui %lt3A_225 : i1 to i32
    %cond3A_227 = arith.constant 0 : i32
    %cond3A_228 = arith.cmpi ne, %convert_element_type3A_226, %cond3A_227 : i32
    scf.if %cond3A_228 {
      %mul3A = arith.constant 80 : i32
      %mul3A_264 = arith.muli %add3A_223, %mul3A : i32
      %mul3A_265 = arith.constant 80 : i32
      %mul3A_266 = arith.muli %add3A_223, %mul3A_265 : i32
      "tpu.region"() ({
        %run_scoped3A = tpu.sem_alloc : memref<!tpu.dma_semaphore, #tpu.memory_space<semaphore_mem>>
        %dma_start3A_267 = arith.constant 0 : i32
        %dma_start3A_268 = tpu.memref_slice %arg5[%arg0, %mul3A_266, %dma_start3A_267] : memref<2x10000x128xf32, #tpu.memory_space<hbm>> -> memref<1x80x128xf32, #tpu.memory_space<hbm>>
        %dma_start3A_269 = tpu.memref_squeeze %dma_start3A_268 : memref<1x80x128xf32, #tpu.memory_space<hbm>> -> memref<80x128xf32, #tpu.memory_space<hbm>>
        %dma_start3A_270 = arith.constant 0 : i32
        %dma_start3A_271 = tpu.memref_slice %arg9[%mul3A_264, %dma_start3A_270] : memref<10000x128xf32, #tpu.memory_space<vmem_shared>> -> memref<80x128xf32, #tpu.memory_space<vmem_shared>>
        tpu.enqueue_dma source(%dma_start3A_271 : memref<80x128xf32, #tpu.memory_space<vmem_shared>>) target(%dma_start3A_269 : memref<80x128xf32, #tpu.memory_space<hbm>>) target_semaphore(%run_scoped3A : memref<!tpu.dma_semaphore, #tpu.memory_space<semaphore_mem>>)
        %dma_wait3A = arith.constant 0 : i32
        %dma_wait3A_272 = tpu.memref_slice %arg5[%arg0, %mul3A_266, %dma_wait3A] : memref<2x10000x128xf32, #tpu.memory_space<hbm>> -> memref<1x80x128xf32, #tpu.memory_space<hbm>>
        %dma_wait3A_273 = tpu.memref_squeeze %dma_wait3A_272 : memref<1x80x128xf32, #tpu.memory_space<hbm>> -> memref<80x128xf32, #tpu.memory_space<hbm>>
        %dma_wait3A_274 = arith.constant 0 : i32
        %dma_wait3A_275 = tpu.memref_slice %arg9[%mul3A_264, %dma_wait3A_274] : memref<10000x128xf32, #tpu.memory_space<vmem_shared>> -> memref<80x128xf32, #tpu.memory_space<vmem_shared>>
        tpu.wait_dma2 semaphore(%run_scoped3A : memref<!tpu.dma_semaphore, #tpu.memory_space<semaphore_mem>>) src(%dma_wait3A_275 : memref<80x128xf32, #tpu.memory_space<vmem_shared>>) dst(%dma_wait3A_273 : memref<80x128xf32, #tpu.memory_space<hbm>>)
        tpu.yield
      }) : () -> ()
    } else {
    }
    %add3A_229 = arith.constant 48 : i32
    %add3A_230 = arith.addi %add3A_229, %arg1 : i32
    %lt3A_231 = arith.constant 125 : i32
    %lt3A_232 = arith.cmpi slt, %add3A_230, %lt3A_231 : i32
    %convert_element_type3A_233 = arith.extui %lt3A_232 : i1 to i32
    %cond3A_234 = arith.constant 0 : i32
    %cond3A_235 = arith.cmpi ne, %convert_element_type3A_233, %cond3A_234 : i32
    scf.if %cond3A_235 {
      %mul3A = arith.constant 80 : i32
      %mul3A_264 = arith.muli %add3A_230, %mul3A : i32
      %mul3A_265 = arith.constant 80 : i32
      %mul3A_266 = arith.muli %add3A_230, %mul3A_265 : i32
      "tpu.region"() ({
        %run_scoped3A = tpu.sem_alloc : memref<!tpu.dma_semaphore, #tpu.memory_space<semaphore_mem>>
        %dma_start3A_267 = arith.constant 0 : i32
        %dma_start3A_268 = tpu.memref_slice %arg5[%arg0, %mul3A_266, %dma_start3A_267] : memref<2x10000x128xf32, #tpu.memory_space<hbm>> -> memref<1x80x128xf32, #tpu.memory_space<hbm>>
        %dma_start3A_269 = tpu.memref_squeeze %dma_start3A_268 : memref<1x80x128xf32, #tpu.memory_space<hbm>> -> memref<80x128xf32, #tpu.memory_space<hbm>>
        %dma_start3A_270 = arith.constant 0 : i32
        %dma_start3A_271 = tpu.memref_slice %arg9[%mul3A_264, %dma_start3A_270] : memref<10000x128xf32, #tpu.memory_space<vmem_shared>> -> memref<80x128xf32, #tpu.memory_space<vmem_shared>>
        tpu.enqueue_dma source(%dma_start3A_271 : memref<80x128xf32, #tpu.memory_space<vmem_shared>>) target(%dma_start3A_269 : memref<80x128xf32, #tpu.memory_space<hbm>>) target_semaphore(%run_scoped3A : memref<!tpu.dma_semaphore, #tpu.memory_space<semaphore_mem>>)
        %dma_wait3A = arith.constant 0 : i32
        %dma_wait3A_272 = tpu.memref_slice %arg5[%arg0, %mul3A_266, %dma_wait3A] : memref<2x10000x128xf32, #tpu.memory_space<hbm>> -> memref<1x80x128xf32, #tpu.memory_space<hbm>>
        %dma_wait3A_273 = tpu.memref_squeeze %dma_wait3A_272 : memref<1x80x128xf32, #tpu.memory_space<hbm>> -> memref<80x128xf32, #tpu.memory_space<hbm>>
        %dma_wait3A_274 = arith.constant 0 : i32
        %dma_wait3A_275 = tpu.memref_slice %arg9[%mul3A_264, %dma_wait3A_274] : memref<10000x128xf32, #tpu.memory_space<vmem_shared>> -> memref<80x128xf32, #tpu.memory_space<vmem_shared>>
        tpu.wait_dma2 semaphore(%run_scoped3A : memref<!tpu.dma_semaphore, #tpu.memory_space<semaphore_mem>>) src(%dma_wait3A_275 : memref<80x128xf32, #tpu.memory_space<vmem_shared>>) dst(%dma_wait3A_273 : memref<80x128xf32, #tpu.memory_space<hbm>>)
        tpu.yield
      }) : () -> ()
    } else {
    }
    %add3A_236 = arith.constant 64 : i32
    %add3A_237 = arith.addi %add3A_236, %arg1 : i32
    %lt3A_238 = arith.constant 125 : i32
    %lt3A_239 = arith.cmpi slt, %add3A_237, %lt3A_238 : i32
    %convert_element_type3A_240 = arith.extui %lt3A_239 : i1 to i32
    %cond3A_241 = arith.constant 0 : i32
    %cond3A_242 = arith.cmpi ne, %convert_element_type3A_240, %cond3A_241 : i32
    scf.if %cond3A_242 {
      %mul3A = arith.constant 80 : i32
      %mul3A_264 = arith.muli %add3A_237, %mul3A : i32
      %mul3A_265 = arith.constant 80 : i32
      %mul3A_266 = arith.muli %add3A_237, %mul3A_265 : i32
      "tpu.region"() ({
        %run_scoped3A = tpu.sem_alloc : memref<!tpu.dma_semaphore, #tpu.memory_space<semaphore_mem>>
        %dma_start3A_267 = arith.constant 0 : i32
        %dma_start3A_268 = tpu.memref_slice %arg5[%arg0, %mul3A_266, %dma_start3A_267] : memref<2x10000x128xf32, #tpu.memory_space<hbm>> -> memref<1x80x128xf32, #tpu.memory_space<hbm>>
        %dma_start3A_269 = tpu.memref_squeeze %dma_start3A_268 : memref<1x80x128xf32, #tpu.memory_space<hbm>> -> memref<80x128xf32, #tpu.memory_space<hbm>>
        %dma_start3A_270 = arith.constant 0 : i32
        %dma_start3A_271 = tpu.memref_slice %arg9[%mul3A_264, %dma_start3A_270] : memref<10000x128xf32, #tpu.memory_space<vmem_shared>> -> memref<80x128xf32, #tpu.memory_space<vmem_shared>>
        tpu.enqueue_dma source(%dma_start3A_271 : memref<80x128xf32, #tpu.memory_space<vmem_shared>>) target(%dma_start3A_269 : memref<80x128xf32, #tpu.memory_space<hbm>>) target_semaphore(%run_scoped3A : memref<!tpu.dma_semaphore, #tpu.memory_space<semaphore_mem>>)
        %dma_wait3A = arith.constant 0 : i32
        %dma_wait3A_272 = tpu.memref_slice %arg5[%arg0, %mul3A_266, %dma_wait3A] : memref<2x10000x128xf32, #tpu.memory_space<hbm>> -> memref<1x80x128xf32, #tpu.memory_space<hbm>>
        %dma_wait3A_273 = tpu.memref_squeeze %dma_wait3A_272 : memref<1x80x128xf32, #tpu.memory_space<hbm>> -> memref<80x128xf32, #tpu.memory_space<hbm>>
        %dma_wait3A_274 = arith.constant 0 : i32
        %dma_wait3A_275 = tpu.memref_slice %arg9[%mul3A_264, %dma_wait3A_274] : memref<10000x128xf32, #tpu.memory_space<vmem_shared>> -> memref<80x128xf32, #tpu.memory_space<vmem_shared>>
        tpu.wait_dma2 semaphore(%run_scoped3A : memref<!tpu.dma_semaphore, #tpu.memory_space<semaphore_mem>>) src(%dma_wait3A_275 : memref<80x128xf32, #tpu.memory_space<vmem_shared>>) dst(%dma_wait3A_273 : memref<80x128xf32, #tpu.memory_space<hbm>>)
        tpu.yield
      }) : () -> ()
    } else {
    }
    %add3A_243 = arith.constant 80 : i32
    %add3A_244 = arith.addi %add3A_243, %arg1 : i32
    %lt3A_245 = arith.constant 125 : i32
    %lt3A_246 = arith.cmpi slt, %add3A_244, %lt3A_245 : i32
    %convert_element_type3A_247 = arith.extui %lt3A_246 : i1 to i32
    %cond3A_248 = arith.constant 0 : i32
    %cond3A_249 = arith.cmpi ne, %convert_element_type3A_247, %cond3A_248 : i32
    scf.if %cond3A_249 {
      %mul3A = arith.constant 80 : i32
      %mul3A_264 = arith.muli %add3A_244, %mul3A : i32
      %mul3A_265 = arith.constant 80 : i32
      %mul3A_266 = arith.muli %add3A_244, %mul3A_265 : i32
      "tpu.region"() ({
        %run_scoped3A = tpu.sem_alloc : memref<!tpu.dma_semaphore, #tpu.memory_space<semaphore_mem>>
        %dma_start3A_267 = arith.constant 0 : i32
        %dma_start3A_268 = tpu.memref_slice %arg5[%arg0, %mul3A_266, %dma_start3A_267] : memref<2x10000x128xf32, #tpu.memory_space<hbm>> -> memref<1x80x128xf32, #tpu.memory_space<hbm>>
        %dma_start3A_269 = tpu.memref_squeeze %dma_start3A_268 : memref<1x80x128xf32, #tpu.memory_space<hbm>> -> memref<80x128xf32, #tpu.memory_space<hbm>>
        %dma_start3A_270 = arith.constant 0 : i32
        %dma_start3A_271 = tpu.memref_slice %arg9[%mul3A_264, %dma_start3A_270] : memref<10000x128xf32, #tpu.memory_space<vmem_shared>> -> memref<80x128xf32, #tpu.memory_space<vmem_shared>>
        tpu.enqueue_dma source(%dma_start3A_271 : memref<80x128xf32, #tpu.memory_space<vmem_shared>>) target(%dma_start3A_269 : memref<80x128xf32, #tpu.memory_space<hbm>>) target_semaphore(%run_scoped3A : memref<!tpu.dma_semaphore, #tpu.memory_space<semaphore_mem>>)
        %dma_wait3A = arith.constant 0 : i32
        %dma_wait3A_272 = tpu.memref_slice %arg5[%arg0, %mul3A_266, %dma_wait3A] : memref<2x10000x128xf32, #tpu.memory_space<hbm>> -> memref<1x80x128xf32, #tpu.memory_space<hbm>>
        %dma_wait3A_273 = tpu.memref_squeeze %dma_wait3A_272 : memref<1x80x128xf32, #tpu.memory_space<hbm>> -> memref<80x128xf32, #tpu.memory_space<hbm>>
        %dma_wait3A_274 = arith.constant 0 : i32
        %dma_wait3A_275 = tpu.memref_slice %arg9[%mul3A_264, %dma_wait3A_274] : memref<10000x128xf32, #tpu.memory_space<vmem_shared>> -> memref<80x128xf32, #tpu.memory_space<vmem_shared>>
        tpu.wait_dma2 semaphore(%run_scoped3A : memref<!tpu.dma_semaphore, #tpu.memory_space<semaphore_mem>>) src(%dma_wait3A_275 : memref<80x128xf32, #tpu.memory_space<vmem_shared>>) dst(%dma_wait3A_273 : memref<80x128xf32, #tpu.memory_space<hbm>>)
        tpu.yield
      }) : () -> ()
    } else {
    }
    %add3A_250 = arith.constant 96 : i32
    %add3A_251 = arith.addi %add3A_250, %arg1 : i32
    %lt3A_252 = arith.constant 125 : i32
    %lt3A_253 = arith.cmpi slt, %add3A_251, %lt3A_252 : i32
    %convert_element_type3A_254 = arith.extui %lt3A_253 : i1 to i32
    %cond3A_255 = arith.constant 0 : i32
    %cond3A_256 = arith.cmpi ne, %convert_element_type3A_254, %cond3A_255 : i32
    scf.if %cond3A_256 {
      %mul3A = arith.constant 80 : i32
      %mul3A_264 = arith.muli %add3A_251, %mul3A : i32
      %mul3A_265 = arith.constant 80 : i32
      %mul3A_266 = arith.muli %add3A_251, %mul3A_265 : i32
      "tpu.region"() ({
        %run_scoped3A = tpu.sem_alloc : memref<!tpu.dma_semaphore, #tpu.memory_space<semaphore_mem>>
        %dma_start3A_267 = arith.constant 0 : i32
        %dma_start3A_268 = tpu.memref_slice %arg5[%arg0, %mul3A_266, %dma_start3A_267] : memref<2x10000x128xf32, #tpu.memory_space<hbm>> -> memref<1x80x128xf32, #tpu.memory_space<hbm>>
        %dma_start3A_269 = tpu.memref_squeeze %dma_start3A_268 : memref<1x80x128xf32, #tpu.memory_space<hbm>> -> memref<80x128xf32, #tpu.memory_space<hbm>>
        %dma_start3A_270 = arith.constant 0 : i32
        %dma_start3A_271 = tpu.memref_slice %arg9[%mul3A_264, %dma_start3A_270] : memref<10000x128xf32, #tpu.memory_space<vmem_shared>> -> memref<80x128xf32, #tpu.memory_space<vmem_shared>>
        tpu.enqueue_dma source(%dma_start3A_271 : memref<80x128xf32, #tpu.memory_space<vmem_shared>>) target(%dma_start3A_269 : memref<80x128xf32, #tpu.memory_space<hbm>>) target_semaphore(%run_scoped3A : memref<!tpu.dma_semaphore, #tpu.memory_space<semaphore_mem>>)
        %dma_wait3A = arith.constant 0 : i32
        %dma_wait3A_272 = tpu.memref_slice %arg5[%arg0, %mul3A_266, %dma_wait3A] : memref<2x10000x128xf32, #tpu.memory_space<hbm>> -> memref<1x80x128xf32, #tpu.memory_space<hbm>>
        %dma_wait3A_273 = tpu.memref_squeeze %dma_wait3A_272 : memref<1x80x128xf32, #tpu.memory_space<hbm>> -> memref<80x128xf32, #tpu.memory_space<hbm>>
        %dma_wait3A_274 = arith.constant 0 : i32
        %dma_wait3A_275 = tpu.memref_slice %arg9[%mul3A_264, %dma_wait3A_274] : memref<10000x128xf32, #tpu.memory_space<vmem_shared>> -> memref<80x128xf32, #tpu.memory_space<vmem_shared>>
        tpu.wait_dma2 semaphore(%run_scoped3A : memref<!tpu.dma_semaphore, #tpu.memory_space<semaphore_mem>>) src(%dma_wait3A_275 : memref<80x128xf32, #tpu.memory_space<vmem_shared>>) dst(%dma_wait3A_273 : memref<80x128xf32, #tpu.memory_space<hbm>>)
        tpu.yield
      }) : () -> ()
    } else {
    }
    %add3A_257 = arith.constant 112 : i32
    %add3A_258 = arith.addi %add3A_257, %arg1 : i32
    %lt3A_259 = arith.constant 125 : i32
    %lt3A_260 = arith.cmpi slt, %add3A_258, %lt3A_259 : i32
    %convert_element_type3A_261 = arith.extui %lt3A_260 : i1 to i32
    %cond3A_262 = arith.constant 0 : i32
    %cond3A_263 = arith.cmpi ne, %convert_element_type3A_261, %cond3A_262 : i32
    scf.if %cond3A_263 {
      %mul3A = arith.constant 80 : i32
      %mul3A_264 = arith.muli %add3A_258, %mul3A : i32
      %mul3A_265 = arith.constant 80 : i32
      %mul3A_266 = arith.muli %add3A_258, %mul3A_265 : i32
      "tpu.region"() ({
        %run_scoped3A = tpu.sem_alloc : memref<!tpu.dma_semaphore, #tpu.memory_space<semaphore_mem>>
        %dma_start3A_267 = arith.constant 0 : i32
        %dma_start3A_268 = tpu.memref_slice %arg5[%arg0, %mul3A_266, %dma_start3A_267] : memref<2x10000x128xf32, #tpu.memory_space<hbm>> -> memref<1x80x128xf32, #tpu.memory_space<hbm>>
        %dma_start3A_269 = tpu.memref_squeeze %dma_start3A_268 : memref<1x80x128xf32, #tpu.memory_space<hbm>> -> memref<80x128xf32, #tpu.memory_space<hbm>>
        %dma_start3A_270 = arith.constant 0 : i32
        %dma_start3A_271 = tpu.memref_slice %arg9[%mul3A_264, %dma_start3A_270] : memref<10000x128xf32, #tpu.memory_space<vmem_shared>> -> memref<80x128xf32, #tpu.memory_space<vmem_shared>>
        tpu.enqueue_dma source(%dma_start3A_271 : memref<80x128xf32, #tpu.memory_space<vmem_shared>>) target(%dma_start3A_269 : memref<80x128xf32, #tpu.memory_space<hbm>>) target_semaphore(%run_scoped3A : memref<!tpu.dma_semaphore, #tpu.memory_space<semaphore_mem>>)
        %dma_wait3A = arith.constant 0 : i32
        %dma_wait3A_272 = tpu.memref_slice %arg5[%arg0, %mul3A_266, %dma_wait3A] : memref<2x10000x128xf32, #tpu.memory_space<hbm>> -> memref<1x80x128xf32, #tpu.memory_space<hbm>>
        %dma_wait3A_273 = tpu.memref_squeeze %dma_wait3A_272 : memref<1x80x128xf32, #tpu.memory_space<hbm>> -> memref<80x128xf32, #tpu.memory_space<hbm>>
        %dma_wait3A_274 = arith.constant 0 : i32
        %dma_wait3A_275 = tpu.memref_slice %arg9[%mul3A_264, %dma_wait3A_274] : memref<10000x128xf32, #tpu.memory_space<vmem_shared>> -> memref<80x128xf32, #tpu.memory_space<vmem_shared>>
        tpu.wait_dma2 semaphore(%run_scoped3A : memref<!tpu.dma_semaphore, #tpu.memory_space<semaphore_mem>>) src(%dma_wait3A_275 : memref<80x128xf32, #tpu.memory_space<vmem_shared>>) dst(%dma_wait3A_273 : memref<80x128xf32, #tpu.memory_space<hbm>>)
        tpu.yield
      }) : () -> ()
    } else {
    }
    return
  }
}

module attributes {stable_mosaic.version = 14 : i64} {
  func.func @_bn_body(%arg0: i32, %arg1: i32, %arg2: memref<1x1xf32, #tpu.memory_space<smem>>, %arg3: memref<10000x128xf32, #tpu.memory_space<vmem>>, %arg4: memref<2x10000x128xf32, #tpu.memory_space<vmem>>, %arg5: memref<1x128xf32, #tpu.memory_space<vmem>>, %arg6: memref<1x128xf32, #tpu.memory_space<vmem>>, %arg7: memref<10000x128xf32, #tpu.memory_space<vmem>>, %arg8: memref<1x128xf32, #tpu.memory_space<vmem>>, %arg9: memref<1x128xf32, #tpu.memory_space<vmem>>) attributes {dimension_semantics = [#tpu.dimension_semantics<arbitrary>, #tpu.dimension_semantics<arbitrary>], iteration_bounds = array<i64: 2, 1>, scalar_prefetch = 0 : i64, scratch_operands = 2 : i64, tpu.core_type = #tpu.core_type<tc>, window_params = [{transform_indices = @transform_0, window_bounds = array<i64: 1, 1>}, {transform_indices = @transform_1, window_bounds = array<i64: 10000, 128>}, {transform_indices = @transform_2, window_bounds = array<i64: 2, 10000, 128>}, {pipeline_mode = #tpu.pipeline_mode<synchronous>, transform_indices = @transform_3, window_bounds = array<i64: 1, 128>}, {pipeline_mode = #tpu.pipeline_mode<synchronous>, transform_indices = @transform_4, window_bounds = array<i64: 1, 128>}, {transform_indices = @transform_5, window_bounds = array<i64: 10000, 128>}]} {
    %get3A = arith.constant 0 : index
    %get3A_0 = arith.constant 0 : index
    %get3A_1 = vector.load %arg3[%get3A, %get3A_0] : memref<10000x128xf32, #tpu.memory_space<vmem>>, vector<10000x128xf32>
    %get3A_2 = arith.constant 0 : index
    %get3A_3 = arith.constant 0 : index
    %get3A_4 = memref.load %arg2[%get3A_2, %get3A_3] : memref<1x1xf32, #tpu.memory_space<smem>>
    %add3A = arith.constant 1.000000e+00 : f32
    %add3A_5 = arith.addf %add3A, %get3A_4 : f32
    %mul3A = vector.broadcast %add3A_5 : f32 to vector<10000x128xf32>
    %mul3A_6 = arith.mulf %get3A_1, %mul3A : vector<10000x128xf32>
    %get3A_7 = arith.constant 0 : index
    %get3A_8 = arith.constant 0 : index
    %get3A_9 = arith.constant 0 : index
    %get3A_10 = vector.load %arg4[%get3A_7, %get3A_8, %get3A_9] : memref<2x10000x128xf32, #tpu.memory_space<vmem>>, vector<1x10000x128xf32>
    %get3A_11 = vector.shape_cast %get3A_10 : vector<1x10000x128xf32> to vector<10000x128xf32>
    %add3A_12 = arith.addf %mul3A_6, %get3A_11 : vector<10000x128xf32>
    %get3A_13 = arith.constant 1 : index
    %get3A_14 = arith.constant 0 : index
    %get3A_15 = arith.constant 0 : index
    %get3A_16 = vector.load %arg4[%get3A_13, %get3A_14, %get3A_15] : memref<2x10000x128xf32, #tpu.memory_space<vmem>>, vector<1x10000x128xf32>
    %get3A_17 = vector.shape_cast %get3A_16 : vector<1x10000x128xf32> to vector<10000x128xf32>
    %add3A_18 = arith.addf %add3A_12, %get3A_17 : vector<10000x128xf32>
    %eq3A = arith.constant 0 : i32
    %eq3A_19 = arith.cmpi eq, %arg0, %eq3A : i32
    %eq3A_20 = arith.constant 0 : i32
    %eq3A_21 = arith.cmpi eq, %arg1, %eq3A_20 : i32
    %and3A = arith.andi %eq3A_19, %eq3A_21 : i1
    %convert_element_type3A = arith.extui %and3A : i1 to i32
    %cond3A = arith.constant 0 : i32
    %cond3A_22 = arith.cmpi ne, %convert_element_type3A, %cond3A : i32
    scf.if %cond3A_22 {
      %broadcast_in_dim3A = arith.constant 0.000000e+00 : f32
      %broadcast_in_dim3A_33 = vector.broadcast %broadcast_in_dim3A : f32 to vector<1x128xf32>
      %swap3A = arith.constant 0 : index
      %swap3A_34 = arith.constant 0 : index
      %swap3A_35 = vector.load %arg8[%swap3A, %swap3A_34] : memref<1x128xf32, #tpu.memory_space<vmem>>, vector<1x128xf32>
      tpu.vector_store %arg8[%swap3A, %swap3A_34], %broadcast_in_dim3A_33 {strides = array<i32>} : memref<1x128xf32, #tpu.memory_space<vmem>>, vector<1x128xf32>,
      %broadcast_in_dim3A_36 = arith.constant 0.000000e+00 : f32
      %broadcast_in_dim3A_37 = vector.broadcast %broadcast_in_dim3A_36 : f32 to vector<1x128xf32>
      %swap3A_38 = arith.constant 0 : index
      %swap3A_39 = arith.constant 0 : index
      %swap3A_40 = vector.load %arg9[%swap3A_38, %swap3A_39] : memref<1x128xf32, #tpu.memory_space<vmem>>, vector<1x128xf32>
      tpu.vector_store %arg9[%swap3A_38, %swap3A_39], %broadcast_in_dim3A_37 {strides = array<i32>} : memref<1x128xf32, #tpu.memory_space<vmem>>, vector<1x128xf32>,
    } else {
    }
    %eq3A_23 = arith.constant 0 : i32
    %eq3A_24 = arith.cmpi eq, %arg0, %eq3A_23 : i32
    %convert_element_type3A_25 = arith.extui %eq3A_24 : i1 to i32
    %cond3A_26 = arith.constant 0 : i32
    %cond3A_27 = arith.cmpi ne, %convert_element_type3A_25, %cond3A_26 : i32
    scf.if %cond3A_27 {
      %get3A_33 = arith.constant 0 : index
      %get3A_34 = arith.constant 0 : index
      %get3A_35 = vector.load %arg8[%get3A_33, %get3A_34] : memref<1x128xf32, #tpu.memory_space<vmem>>, vector<1x128xf32>
      %reduce_sum3A = arith.constant dense<0.000000e+00> : vector<128xf32>
      %reduce_sum3A_36 = vector.multi_reduction <add>, %add3A_18, %reduce_sum3A [0] : vector<10000x128xf32> to vector<128xf32>
      %broadcast_in_dim3A = vector.shape_cast %reduce_sum3A_36 : vector<128xf32> to vector<1x128xf32>
      %add3A_37 = arith.addf %get3A_35, %broadcast_in_dim3A : vector<1x128xf32>
      %swap3A = arith.constant 0 : index
      %swap3A_38 = arith.constant 0 : index
      %swap3A_39 = vector.load %arg8[%swap3A, %swap3A_38] : memref<1x128xf32, #tpu.memory_space<vmem>>, vector<1x128xf32>
      tpu.vector_store %arg8[%swap3A, %swap3A_38], %add3A_37 {strides = array<i32>} : memref<1x128xf32, #tpu.memory_space<vmem>>, vector<1x128xf32>,
      %get3A_40 = arith.constant 0 : index
      %get3A_41 = arith.constant 0 : index
      %get3A_42 = vector.load %arg9[%get3A_40, %get3A_41] : memref<1x128xf32, #tpu.memory_space<vmem>>, vector<1x128xf32>
      %mul3A_43 = arith.mulf %add3A_18, %add3A_18 : vector<10000x128xf32>
      %reduce_sum3A_44 = arith.constant dense<0.000000e+00> : vector<128xf32>
      %reduce_sum3A_45 = vector.multi_reduction <add>, %mul3A_43, %reduce_sum3A_44 [0] : vector<10000x128xf32> to vector<128xf32>
      %broadcast_in_dim3A_46 = vector.shape_cast %reduce_sum3A_45 : vector<128xf32> to vector<1x128xf32>
      %add3A_47 = arith.addf %get3A_42, %broadcast_in_dim3A_46 : vector<1x128xf32>
      %swap3A_48 = arith.constant 0 : index
      %swap3A_49 = arith.constant 0 : index
      %swap3A_50 = vector.load %arg9[%swap3A_48, %swap3A_49] : memref<1x128xf32, #tpu.memory_space<vmem>>, vector<1x128xf32>
      tpu.vector_store %arg9[%swap3A_48, %swap3A_49], %add3A_47 {strides = array<i32>} : memref<1x128xf32, #tpu.memory_space<vmem>>, vector<1x128xf32>,
    } else {
    }
    %eq3A_28 = arith.constant 1 : i32
    %eq3A_29 = arith.cmpi eq, %arg0, %eq3A_28 : i32
    %convert_element_type3A_30 = arith.extui %eq3A_29 : i1 to i32
    %cond3A_31 = arith.constant 0 : i32
    %cond3A_32 = arith.cmpi ne, %convert_element_type3A_30, %cond3A_31 : i32
    scf.if %cond3A_32 {
      %get3A_33 = arith.constant 0 : index
      %get3A_34 = arith.constant 0 : index
      %get3A_35 = vector.load %arg8[%get3A_33, %get3A_34] : memref<1x128xf32, #tpu.memory_space<vmem>>, vector<1x128xf32>
      %div3A = arith.constant 1.000000e+04 : f32
      %div3A_36 = vector.broadcast %div3A : f32 to vector<1x128xf32>
      %div3A_37 = arith.divf %get3A_35, %div3A_36 : vector<1x128xf32>
      %get3A_38 = arith.constant 0 : index
      %get3A_39 = arith.constant 0 : index
      %get3A_40 = vector.load %arg9[%get3A_38, %get3A_39] : memref<1x128xf32, #tpu.memory_space<vmem>>, vector<1x128xf32>
      %div3A_41 = arith.constant 1.000000e+04 : f32
      %div3A_42 = vector.broadcast %div3A_41 : f32 to vector<1x128xf32>
      %div3A_43 = arith.divf %get3A_40, %div3A_42 : vector<1x128xf32>
      %mul3A_44 = arith.mulf %div3A_37, %div3A_37 : vector<1x128xf32>
      %sub3A = arith.subf %div3A_43, %mul3A_44 : vector<1x128xf32>
      %add3A_45 = arith.constant 9.99999974E-6 : f32
      %add3A_46 = vector.broadcast %add3A_45 : f32 to vector<1x128xf32>
      %add3A_47 = arith.addf %sub3A, %add3A_46 : vector<1x128xf32>
      %rsqrt3A = math.rsqrt %add3A_47 : vector<1x128xf32>
      %get3A_48 = arith.constant 0 : index
      %get3A_49 = arith.constant 0 : index
      %get3A_50 = vector.load %arg3[%get3A_48, %get3A_49] : memref<10000x128xf32, #tpu.memory_space<vmem>>, vector<10000x128xf32>
      %sub3A_51 = vector.broadcast %div3A_37 : vector<1x128xf32> to vector<10000x128xf32>
      %sub3A_52 = arith.subf %add3A_18, %sub3A_51 : vector<10000x128xf32>
      %mul3A_53 = vector.broadcast %rsqrt3A : vector<1x128xf32> to vector<10000x128xf32>
      %mul3A_54 = arith.mulf %sub3A_52, %mul3A_53 : vector<10000x128xf32>
      %get3A_55 = arith.constant 0 : index
      %get3A_56 = arith.constant 0 : index
      %get3A_57 = vector.load %arg5[%get3A_55, %get3A_56] : memref<1x128xf32, #tpu.memory_space<vmem>>, vector<1x128xf32>
      %mul3A_58 = vector.broadcast %get3A_57 : vector<1x128xf32> to vector<10000x128xf32>
      %mul3A_59 = arith.mulf %mul3A_54, %mul3A_58 : vector<10000x128xf32>
      %add3A_60 = arith.addf %get3A_50, %mul3A_59 : vector<10000x128xf32>
      %get3A_61 = arith.constant 0 : index
      %get3A_62 = arith.constant 0 : index
      %get3A_63 = vector.load %arg6[%get3A_61, %get3A_62] : memref<1x128xf32, #tpu.memory_space<vmem>>, vector<1x128xf32>
      %add3A_64 = vector.broadcast %get3A_63 : vector<1x128xf32> to vector<10000x128xf32>
      %add3A_65 = arith.addf %add3A_60, %add3A_64 : vector<10000x128xf32>
      %swap3A = arith.constant 0 : index
      %swap3A_66 = arith.constant 0 : index
      %swap3A_67 = vector.load %arg7[%swap3A, %swap3A_66] : memref<10000x128xf32, #tpu.memory_space<vmem>>, vector<10000x128xf32>
      tpu.vector_store %arg7[%swap3A, %swap3A_66], %add3A_65 {strides = array<i32>} : memref<10000x128xf32, #tpu.memory_space<vmem>>, vector<10000x128xf32>,
    } else {
    }
    return
  }
  func.func @transform_0(%arg0: i32, %arg1: i32) -> (i32, i32) {
    %c0_i32 = arith.constant 0 : i32
    %c0_i32_0 = arith.constant 0 : i32
    %c0_i32_1 = arith.constant 0 : i32
    return %c0_i32, %c0_i32_0 : i32, i32
  }
  func.func @transform_1(%arg0: i32, %arg1: i32) -> (i32, i32) {
    %c0_i32 = arith.constant 0 : i32
    %c0_i32_0 = arith.constant 0 : i32
    return %arg1, %c0_i32 : i32, i32
  }
  func.func @transform_2(%arg0: i32, %arg1: i32) -> (i32, i32, i32) {
    %c0_i32 = arith.constant 0 : i32
    %c0_i32_0 = arith.constant 0 : i32
    %c0_i32_1 = arith.constant 0 : i32
    return %c0_i32, %arg1, %c0_i32_0 : i32, i32, i32
  }
  func.func @transform_3(%arg0: i32, %arg1: i32) -> (i32, i32) {
    %c0_i32 = arith.constant 0 : i32
    %c0_i32_0 = arith.constant 0 : i32
    %c0_i32_1 = arith.constant 0 : i32
    return %c0_i32, %c0_i32_0 : i32, i32
  }
  func.func @transform_4(%arg0: i32, %arg1: i32) -> (i32, i32) {
    %c0_i32 = arith.constant 0 : i32
    %c0_i32_0 = arith.constant 0 : i32
    %c0_i32_1 = arith.constant 0 : i32
    return %c0_i32, %c0_i32_0 : i32, i32
  }
  func.func @transform_5(%arg0: i32, %arg1: i32) -> (i32, i32) {
    %c0_i32 = arith.constant 0 : i32
    %c0_i32_0 = arith.constant 0 : i32
    return %arg1, %c0_i32 : i32, i32
  }
}

</mosaic_0001>

<sc_bundles>
// kernel: kernel.4.cloned.1.call-start
scs
__scs_entry_jumppad:
0x0: {  	(pc) =	sbr.rel $0x88, $3  }
0x1: {  	(tag) =	ssettag $0x0;
	lr =	simm.s32 $0x1  }
0x2: {  	[smem:$0x3F9C] =	sst lr;
	_ =	strace $0xD0000000  }
0x3: {  	_ = 	snop  }
0x4: {  	_ = 	snop  }
0x5: {  	_ = 	snop  }
0x6: {  	_ = 	snop  }
0x7: {  	_ = 	snop  }
__scs_overlays_trampoline_lowered:
0x8: {  	[smem:$0x3FAB] =	sst s0  }
0x9: {  	[smem:$0x3FAC] =	sst s1  }
0xa: {  	[smem:$0x3FAD] =	sst s2  }
0xb: {  	[smem:$0x3FAE] =	sst s3  }
0xc: {  	[smem:$0x3FAF] =	sst s4  }
0xd: {  	[smem:$0x3FB0] =	sst s5  }
0xe: {  	[smem:$0x3FB1] =	sst s6  }
0xf: {  	[smem:$0x3FB2] =	sst s7  }
0x10: {  	[smem:$0x3FB3] =	sst s8  }
0x11: {  	[smem:$0x3FB4] =	sst s9;
	s0 =	simm.s32 @!p0 $0x0  }
0x12: {  	s1 =	sld [smem:$0x3F9A];
	s0 =	simm.s32 @p0 $0x1  }
0x13: {  	[smem:$0x3FB5] =	sst s0;
	s0 =	simm.s32 @!p1 $0x0  }
0x14: {  	s2 =	sld [smem:$0x3F99];
	s0 =	simm.s32 @p1 $0x1  }
0x15: {  	[smem:$0x3FB6] =	sst s0;
	s0 =	simm.s32 @!p2 $0x0  }
0x16: {  	s3 =	sld [smem:$0x3FDB];
	s0 =	simm.s32 @p2 $0x1  }
0x17: {  	s4 =	simm.s32 $0x1BF5;
	[smem:$0x3FB8] =	sst s0  }
0x18: {  	s0 =	sld [smem:$0x3F9B];
	_ =	swait.ge [sflag:s4], $0x0  }
0x19: {  	s7 =	sld [smem:$0x3F9C]  }
0x1a: {  	s8 =	sadd.s32 $0xFFFFE003, lr  }
0x1b: {  	s9 =	sadd.s32 $0xFFFFFEF7, lr;
	s5 =	simm.s32 $0xFFFFFFFF;
	p2 =	slt.u32 s8, $0xFFFFF086  }
0x1c: {  	p1 =	slt.u32 s9, $0xF7A;
	s5 =	simm.s32 @!p2 $0x0  }
0x1d: {  	s5 =	simm.s32 @p1 $0x1;
	p0 =	seq.s32 s7, s2  }
0x1e: {  	s7 =	smul.u32 @!p0 $0xF7A, s2;
	p2 =	seq.s32 @!p0 s5, $0x0  }
0x1f: {  	s9 =	smul.u32 $0xF7A, s1;
	s8 =	simm.s32 @!p0 $0x1BF5;
	p2 =	por !p2, p0  }
0x20: {  	[sflag:s8] =	ssyncset.s32 @!p0 $0xFFFFF086;
	s6 =	sadd.s32 @!p0 s3, s7;
	s7 =	simm.s32 @!p0 $0x108  }
0x21: {  	s3 =	sadd.s32 s3, s9;
	s6 =	sadd.s32 @!p0 $0x88, s6;
	s7 =	simm.s32 @p2 $0x1082  }
0x22: {  	[simem:s7], [sflag:s8] =	dma.local @!p0 [hbm:s6], $0xF7A  }
0x23: {  	s9 =	sor.u32 $0xD0000000, s2;
	s6 =	simm.s32 $0x108;
	_ =	swait.ge @!p0 [sflag:s8], $0x0  }
0x24: {  	s3 =	sadd.s32 $0x88, s3;
	s6 =	simm.s32 @!p1 $0x1082;
	[sflag:s4] =	ssyncset.s32 $0xFFFFF086  }
0x25: {  	[simem:s6], [sflag:s4] =	dma.local [hbm:s3], $0xF7A  }
0x26: {  	[smem:$0x3F9C] =	sst s1;
	(tag) =	ssettag s2;
	_ =	strace s9  }
0x27: {  	s1 =	sld [smem:$0x3FAC]  }
0x28: {  	s2 =	sld [smem:$0x3FAD]  }
0x29: {  	s4 =	sld [smem:$0x3FAF]  }
0x2a: {  	p0 =	seq.s32 s5, $0x0;
	s5 =	sld [smem:$0x3FB0]  }
0x2b: {  	s6 =	sld [smem:$0x3FB1]  }
0x2c: {  	s7 =	sld [smem:$0x3FB2]  }
0x2d: {  	s3 =	simm.s32 $0x108;
	s8 =	sld [smem:$0x3FB3]  }
0x2e: {  	s3 =	simm.s32 @!p0 $0x1082;
	s9 =	sld [smem:$0x3FB4]  }
0x2f: {  	lr =	sadd.s32 s0, s3;
	s0 =	sld [smem:$0x3FAB]  }
0x30: {  	s3 =	sld [smem:$0x3FAE]  }
0x31: {  	[smem:$0x3FB7] =	sst s10  }
0x32: {  	s10 =	sld [smem:$0x3FB5];
	_ =	sdelay $0x3  }
0x33: {  	p0 =	seq.s32 s10, $0x1;
	s10 =	sld [smem:$0x3FB7];
	_ =	sdelay $0x3  }
0x34: {  	[smem:$0x3FB7] =	sst s10  }
0x35: {  	s10 =	sld [smem:$0x3FB6];
	_ =	sdelay $0x3  }
0x36: {  	p1 =	seq.s32 s10, $0x1;
	s10 =	sld [smem:$0x3FB7];
	_ =	sdelay $0x3  }
0x37: {  	[smem:$0x3FB7] =	sst s10  }
0x38: {  	s10 =	sld [smem:$0x3FB8]  }
0x39: {  	_ = 	snop;
	(pc) =	sbr.ind lr, $3  }
0x3a: {  	_ = 	snop  }
0x3b: {  	_ = 	snop  }
0x3c: {  	p2 =	seq.s32 s10, $0x1;
	s10 =	sld [smem:$0x3FB7]  }
0x3d: {  	_ =	shalt  }
0x3e: {  	_ =	shalt  }
0x3f: {  	_ =	shalt  }
0x40: {  	_ =	shalt  }
0x41: {  	_ =	shalt  }
0x42: {  	_ =	shalt  }
0x43: {  	_ =	shalt  }
0x44: {  	_ =	shalt  }
0x45: {  	_ =	shalt  }
0x46: {  	_ =	shalt  }
0x47: {  	_ =	shalt  }
0x48: {  	_ =	shalt  }
0x49: {  	_ =	shalt  }
0x4a: {  	_ =	shalt  }
0x4b: {  	_ =	shalt  }
0x4c: {  	_ =	shalt  }
0x4d: {  	_ =	shalt  }
0x4e: {  	_ =	shalt  }
0x4f: {  	_ =	shalt  }
0x50: {  	_ =	shalt  }
0x51: {  	_ =	shalt  }
0x52: {  	_ =	shalt  }
0x53: {  	_ =	shalt  }
0x54: {  	_ =	shalt  }
0x55: {  	_ =	shalt  }
0x56: {  	_ =	shalt  }
0x57: {  	_ =	shalt  }
0x58: {  	_ =	shalt  }
0x59: {  	_ =	shalt  }
0x5a: {  	_ =	shalt  }
0x5b: {  	_ =	shalt  }
0x5c: {  	_ =	shalt  }
0x5d: {  	_ =	shalt  }
0x5e: {  	_ =	shalt  }
0x5f: {  	_ =	shalt  }
0x60: {  	_ =	shalt  }
0x61: {  	_ =	shalt  }
0x62: {  	_ =	shalt  }
0x63: {  	_ =	shalt  }
0x64: {  	_ =	shalt  }
0x65: {  	_ =	shalt  }
0x66: {  	_ =	shalt  }
0x67: {  	_ =	shalt  }
0x68: {  	_ =	shalt  }
0x69: {  	_ =	shalt  }
0x6a: {  	_ =	shalt  }
0x6b: {  	_ =	shalt  }
0x6c: {  	_ =	shalt  }
0x6d: {  	_ =	shalt  }
0x6e: {  	_ =	shalt  }
0x6f: {  	_ =	shalt  }
0x70: {  	_ =	shalt  }
0x71: {  	_ =	shalt  }
0x72: {  	_ =	shalt  }
0x73: {  	_ =	shalt  }
0x74: {  	_ =	shalt  }
0x75: {  	_ =	shalt  }
0x76: {  	_ =	shalt  }
0x77: {  	_ =	shalt  }
0x78: {  	_ =	shalt  }
0x79: {  	_ =	shalt  }
0x7a: {  	_ =	shalt  }
0x7b: {  	_ =	shalt  }
0x7c: {  	_ =	shalt  }
0x7d: {  	_ =	shalt  }
0x7e: {  	_ =	shalt  }
0x7f: {  	_ =	shalt  }
0x80: {  	_ =	shalt  }
0x81: {  	_ =	shalt  }
0x82: {  	_ =	shalt  }
0x83: {  	_ =	shalt  }
0x84: {  	_ =	shalt  }
0x85: {  	_ =	shalt  }
0x86: {  	_ =	shalt  }
0x87: {  	_ =	shalt  }
.Lfunc_end0:
.L_simem_size_0:
called_computation_lowered:
.L_overlay_start_0:
0x88: {  	s2 =	sld [smem:$0x3FD9]  }
0x89: {  	s3 =	sld [smem:$0x3FFE];
	_ =	sdelay $0x1  }
0x8a: {  	s1 =	srdreg.scid  }
0x8b: {  	s0 =	sand.u32 $0x1, s1  }
0x8c: {  	s17 =	sshll.u32 s0, $0xA;
	s2 =	sadd.s32 s3, s2  }
0x8d: {  	s2 =	sadd.s32 s2, s17  }
0x8e: {  	[smem:$0x3FC3] =	sst s2  }
0x8f: {  	_ = 	snop  }
0x90: {  	s2 =	sld [smem:$0x3FC9]  }
0x91: {  	s18 =	sld [smem:$0x3FD0];
	(tm) =	ssettm $0x1  }
0x92: {  	s4 =	sld [smem:$0x3FFB];
	_ =	sdelay $0x3  }
0x93: {  	_ =	strace s4  }
0x94: {  	s4 =	sld [smem:$0x3FFC];
	_ =	sdelay $0x3  }
0x95: {  	_ =	strace s4  }
0x96: {  	s4 =	sld [smem:$0x3FFD];
	_ =	sdelay $0x3  }
0x97: {  	_ =	strace s4  }
0x98: {  	_ =	strace $0x8FFFFFFF  }
0x99: {  	s19 =	sld [smem:$0x3FDB];
	_ =	sdelay $0x1  }
0x9a: {  	s5 =	simm.s32 $_scs_section_size  }
0x9b: {  	s6 =	simm.s32 $_size__tile_overlayer_lowered;
	s7 =	simm.s32 $_tile_overlayer_lowered  }
0x9c: {  	s22 =	simm.s32 $0x1BFF;
	s21 =	sshll.u32 s7, $0x1;
	s4 =	sadd.s32 s5, s19  }
0x9d: {  	s8 =	simm.s32 $0x0;
	s20 =	sshll.u32 s6, $0x1;
	s6 =	sadd.s32 s21, s4  }
0x9e: {  	[timem:s8], [sflag:s22] =	dma.local [hbm:s6], s20  }
0x9f: {  	_ =	swait.ge [sflag:s22], s20  }
0xa0: {  	s5 =	ssub.s32 $0x0, s20;
	[sflag:s22] =	ssyncset.done $0x0  }
0xa1: {  	[sflag:s22] =	ssyncadd.s32 s5;
	_ =	sdelay $0x1  }
0xa2: {  	s23 =	simm.s32 $0x1B8B  }
0xa3: {  	_ =	swait.ge [sflag:s23], $0x1  }
0xa4: {  	[sflag:s23] =	ssyncset.done $0x0  }
0xa5: {  	s25 =	simm.s32 $0x1B8E;
	s24 =	sld [smem:$0x3FFE];
	[sflag:s23] =	ssyncadd.s32 $0xFFFFFFFF  }
0xa6: {  	s26 =	simm.s32 $execute0_lowered;
	[smem:$0x3FD2] =	sst s25  }
0xa7: {  	s6 =	sshll.u32 s26, $0x1;
	_ =	strace $0x80000046;
	[dreg:$0x1] =	wrdreg $0xFFFFFFFF  }
0xa8: {  	s28 =	simm.s32 $_size_execute0_lowered;
	s4 =	sadd.s32 s4, s6;
	[dreg:$0x0] =	wrdreg $0x0  }
0xa9: {  	s6 =	sshll.u32 s28, $0x1;
	[dreg:$0x2] =	wrdreg s4  }
0xaa: {  	[dreg:$0x3] =	wrdreg s6  }
0xab: {  	[dreg:$0x4] =	wrdreg $0xC0  }
0xac: {  	_ =	task [dreg:s8], $0x5FFFF  }
0xad: {  	[dreg:$0x1] =	wrdreg $0xFFFFFFFF  }
0xae: {  	[dreg:$0x0] =	wrdreg $0x60  }
0xaf: {  	[dreg:$0x2] =	wrdreg s2  }
0xb0: {  	[dreg:$0x3] =	wrdreg s24  }
0xb1: {  	[dreg:$0x4] =	wrdreg s18  }
0xb2: {  	[dreg:$0x5] =	wrdreg $0xC6200  }
0xb3: {  	[dreg:$0x6] =	wrdreg $0x9  }
0xb4: {  	_ =	task.clear_ibuf [dreg:s8], $0x7FFFF;
	_ =	strace $0x90000046  }
0xb5: {  	s29 =	simm.s32 $0x9;
	_ =	strace $0x80000048  }
0xb6: {  	_ =	swait.ge [sflag:s29], $0x1  }
0xb7: {  	[sflag:s29] =	ssyncadd.s32 $0xFFFFFFFF  }
0xb8: {  	_ =	strace $0x90000048  }
0xb9: {  	_ =	sfence  }
0xba: {  	s30 =	sld [smem:$0x0];
	_ =	sdelay $0x2  }
0xbb: {  	s31 =	sshll.u32 s1, $0xD;
	s1 =	sshrl.u32 s1, $0x2  }
0xbc: {  	s3 =	sand.u32 $0x4000, s31;
	s1 =	sadd.s32 s1, s30  }
0xbd: {  	s0 =	sor.u32 s3, s0;
	s1 =	sshll.u32 s1, $0x11  }
0xbe: {  	s0 =	sor.u32 s1, s0  }
0xbf: {  	s0 =	sadd.s32 $0x8F2B, s0  }
0xc0: {  	[sflag:s0] =	ssyncadd.remote.s32 $0x1  }
0xc1: {  	_ =	sfence.sel $0xFFFF  }
0xc2: {  	[dreg:$0x0] =	wrdreg $0xFFFFFFFF;
	(pc) =	sbr.abs _section_cstart, $3  }
0xc3: {  	[dreg:$0x1] =	wrdreg $0xFFFFFFFF  }
0xc4: {  	_ =	task.clear_ibuf [dreg:s8], $0x2FFFF;
	_ =	strace $0x9FFFFFFF  }
0xc5: {  	(tm) =	ssettm $0x7FFFFFFF  }
tec
execute0_lowered:
.L_overlay_start_1:
0x0: {  	(tag) =	ssettag $0x1  }
0x1: {  	s0 =	srdreg.scid;
	s23 =	stileid.u32  }
0x2: {  	s3 =	sand.u32 $0x1, s0;
	s2 =	smul.u32 $0x2710, s23  }
0x3: {  	s7 =	sor.u32 $0x10, s23;
	s0 =	smul.u32 $0x27100, s3  }
0x4: {  	s9 =	smul.u32 $0x5000, s7  }
0x5: {  	s4 =	rddreg [dreg:$0x1];
	s10 =	smul.u32 $0x138800, s3  }
0x6: {  	s5 =	rddreg [dreg:$0x2];
	s26 =	ssub.s32 $0x2, s3;
	s3 =	smul.u32 $0x2800, s23  }
0x7: {  	s1 =	simm.s32 $0x0;
	s12 =	sor.u32 $0x40, s23;
	s7 =	smul.u32 $0x2800, s7  }
0x8: {  	[smem:$0x7FF] =	sst s1;
	s15 =	sor.u32 $0x50, s23;
	s19 =	smul.u32 $0x2800, s12  }
0x9: {  	s11 =	sor.u32 $0x30, s23;
	s16 =	sor.u32 $0x60, s23;
	s20 =	smul.u32 $0x2800, s15  }
0xa: {  	s17 =	sor.u32 $0x70, s23;
	p0 =	sgt.u32 s23, $0x9;
	s21 =	smul.u32 $0x2800, s16  }
0xb: {  	p1 =	sgt.u32 s23, $0xC;
	s22 =	smul.u32 $0x2800, s17;
	s8 =	sshrl.u32 s26, $0x1  }
0xc: {  	s0 =	sadd.s32 s2, s0;
	s28 =	sadd.s32 s3, s10;
	s29 =	sadd.s32 s10, s7  }
0xd: {  	s14 =	sadd.s32 s10, s19;
	s24 =	sadd.s32 s10, s20;
	s25 =	sadd.s32 s10, s21  }
0xe: {  	s9 =	sshrl.u32 s9, $0x2;
	s6 =	sshrl.u32 s0, $0x3;
	s0 =	ssub.s32 s26, s8  }
0xf: {  	s8 =	sor.u32 $0x20, s23;
	s30 =	sshrl.u32 s29, $0x3;
	s14 =	sshrl.u32 s14, $0x3  }
0x10: {  	s26 =	sshrl.u32 s24, $0x3;
	s2 =	sadd.s32 s6, s4;
	s18 =	smul.u32 $0x2800, s8  }
0x11: {  	s4 =	sadd.s32 $0xA800, s4;
	s5 =	sadd.s32 s5, s6;
	s6 =	smul.u32 $0x2800, s11  }
0x12: {  	s24 =	smul.u32 $0x5000, s8;
	[dreg:$0x5] =	wrdreg s5;
	s5 =	sshrl.u32 s28, $0x3  }
0x13: {  	s0 =	smax.u32 s0, $0x1;
	s28 =	sshrl.u32 s25, $0x3;
	s5 =	sadd.s32 s4, s5  }
0x14: {  	s31 =	sadd.s32 s10, s18;
	s29 =	sadd.s32 s4, s28;
	[dreg:$0x6] =	wrdreg s5  }
0x15: {  	s13 =	sadd.s32 s10, s6;
	s5 =	sadd.s32 s4, s30;
	[dreg:$0xc] =	wrdreg s29  }
0x16: {  	s13 =	sshrl.u32 s13, $0x3;
	s30 =	sadd.s32 s10, s22;
	s10 =	rddreg [dreg:$0x0]  }
0x17: {  	s2 =	sadd.s32 $0xA00, s2;
	[dreg:$0x7] =	wrdreg s5;
	s13 =	sadd.s32 s4, s13  }
0x18: {  	s28 =	smul.u32 $0x5000, s12;
	s5 =	sshrl.u32 s31, $0x3;
	[dreg:$0x9] =	wrdreg s13  }
0x19: {  	s31 =	smul.u32 $0x5000, s23;
	s5 =	sadd.s32 s4, s5;
	s13 =	rddreg [dreg:$0x3]  }
0x1a: {  	s29 =	smul.u32 $0x5000, s15;
	[dreg:$0x8] =	wrdreg s5;
	s5 =	sadd.s32 s4, s14  }
0x1b: {  	s25 =	sshrl.u32 s31, $0x2;
	s9 =	sadd.s32 s9, s13;
	s31 =	smul.u32 $0x5000, s17  }
0x1c: {  	s15 =	sadd.s32 s3, s13;
	s17 =	sadd.s32 s18, s13;
	s18 =	sadd.s32 s6, s13  }
0x1d: {  	s19 =	sadd.s32 s19, s13;
	[dreg:$0xa] =	wrdreg s5;
	s5 =	sadd.s32 s4, s26  }
0x1e: {  	s26 =	smul.u32 $0x5000, s11;
	[dreg:$0xb] =	wrdreg s5;
	s5 =	sshrl.u32 s30, $0x3  }
0x1f: {  	s20 =	sadd.s32 s20, s13;
	s21 =	sadd.s32 s21, s13;
	s4 =	sadd.s32 s4, s5  }
0x20: {  	s8 =	sshrl.u32 s26, $0x2;
	s5 =	sshrl.u32 s28, $0x2;
	[dreg:$0xd] =	wrdreg s4  }
0x21: {  	s8 =	sadd.s32 s8, s13;
	_ =	strace $0x80000047;
	[dreg:$0xe] =	wrdreg s9  }
0x22: {  	s11 =	sshrl.u32 s31, $0x2;
	s5 =	sadd.s32 s5, s13;
	[dreg:$0x10] =	wrdreg s8  }
0x23: {  	s14 =	sadd.s32 s25, s13;
	s12 =	sadd.s32 s11, s13;
	[dreg:$0x11] =	wrdreg s5  }
0x24: {  	s23 =	sshrl.u32 s15, $0x3;
	s25 =	sshrl.u32 s17, $0x3;
	[dreg:$0x14] =	wrdreg s12  }
0x25: {  	s15 =	simm.s32 $0x28;
	s17 =	simm.s32 $0x0;
	[dreg:$0x15] =	wrdreg s2  }
0x26: {  	s30 =	smul.u32 $0x5000, s16;
	s16 =	sadd.s32 s7, s13;
	[dreg:$0x16] =	wrdreg s0  }
0x27: {  	s4 =	sshrl.u32 s24, $0x2;
	s24 =	sshrl.u32 s16, $0x3;
	[dreg:$0x17] =	wrdreg s23  }
0x28: {  	s31 =	sadd.s32 $0xA0000, s14;
	s3 =	sadd.s32 $0xC8000, s14;
	[dreg:$0x18] =	wrdreg s24  }
0x29: {  	s6 =	sadd.s32 $0x104000, s14;
	s26 =	sshrl.u32 s18, $0x3;
	[dreg:$0x19] =	wrdreg s25  }
0x2a: {  	s7 =	sadd.s32 $0x118000, s14;
	s28 =	sshrl.u32 s19, $0x3;
	[dreg:$0x1a] =	wrdreg s26  }
0x2b: {  	s16 =	simm.s32 $0x7;
	s4 =	sadd.s32 s4, s13;
	[dreg:$0x1b] =	wrdreg s28  }
0x2c: {  	s8 =	sshrl.u32 s29, $0x2;
	s9 =	sadd.s32 s22, s13;
	[dreg:$0x1f] =	wrdreg s31  }
0x2d: {  	s29 =	sshrl.u32 s20, $0x3;
	s2 =	sadd.s32 $0xB4000, s14;
	[dreg:$0xf] =	wrdreg s4  }
0x2e: {  	s12 =	simm.s32 $0x8;
	s5 =	sadd.s32 s8, s13;
	[dreg:$0x1c] =	wrdreg s29  }
0x2f: {  	s4 =	sshrl.u32 s30, $0x2;
	s30 =	sshrl.u32 s21, $0x3;
	[dreg:$0x12] =	wrdreg s5  }
0x30: {  	s0 =	sshrl.u32 @!p1 s9, $0x3;
	s8 =	sadd.s32 $0x12C000, s14;
	[dreg:$0x1d] =	wrdreg s30  }
0x31: {  	s9 =	simm.s32 $0x4E20;
	s4 =	sadd.s32 s4, s13;
	[dreg:$0x1e] =	wrdreg s0  }
0x32: {  	v0 =	vimm.f32 $0.0e+00;
	s5 =	sadd.s32 $0xF0000, s14;
	[dreg:$0x13] =	wrdreg s4;
	s4 =	sadd.s32 $0xDC000, s14  }
.LBB2_1:
0x33: {  	s18 =	simm.s32 $0x0;
	s19 =	simm.s32 $0x200  }
.LBB2_2:
0x34: {  	p2 =	sne.s32 s19, $0x4E00;
	[tilespmem:s18+$0x4E90] =	vst v0  }
0x35: {  	[tilespmem:s18+$0x4E20] =	vst v0  }
0x36: {  	[tilespmem:s18+$0x4E30] =	vst v0  }
.Ltmp0:
0x37: {  	[tilespmem:s18+$0x4E40] =	vst v0;
	(pc) =	sbr.rel @p2 .LBB2_2-.Ltmp0, $4  }
0x38: {  	[tilespmem:s18+$0x4E50] =	vst v0  }
0x39: {  	[tilespmem:s18+$0x4E60] =	vst v0  }
0x3a: {  	[tilespmem:s18+$0x4E70] =	vst v0  }
0x3b: {  	[tilespmem:s18+$0x4E80] =	vst v0;
	s18 =	sshra.s32 s19, $0x2;
	s19 =	sadd.s32 $0x200, s19  }
0x3c: {  	[tilespmem:s18+$0x4E90] =	vst v0  }
0x3d: {  	[tilespmem:s18+$0x4E20] =	vst v0  }
0x3e: {  	[tilespmem:s18+$0x4E30] =	vst v0  }
0x3f: {  	[tilespmem:s18+$0x4E40] =	vst v0  }
0x40: {  	[tilespmem:s18+$0x4E50] =	vst v0  }
0x41: {  	[tilespmem:s18+$0x4E60] =	vst v0  }
0x42: {  	[tilespmem:s18+$0x4E70] =	vst v0  }
0x43: {  	[tilespmem:s18+$0x4E80] =	vst v0  }
0x44: {  	[spmem:s14] =	stream.linear.scatter [tilespmem:s9], [sflag:$0x8], $0x1400, $0x38;
	[tilespmem:$0x1FEA0] =	vst v63  }
0x45: {  	_ =	swait.ge [sflag:s12], $0x1400  }
0x46: {  	[sflag:s12] =	ssyncset.done $0x0  }
0x47: {  	s0 =	rddreg [dreg:$0xe];
	[sflag:s12] =	ssyncadd.s32 $0xFFFFEC00  }
0x48: {  	[spmem:s0] =	stream.linear.scatter [tilespmem:s9], [sflag:$0x8], $0x1400, $0x38;
	[tilespmem:$0x1FEA0] =	vst v63  }
0x49: {  	_ =	swait.ge [sflag:s12], $0x1400  }
0x4a: {  	[sflag:s12] =	ssyncset.done $0x0  }
0x4b: {  	s25 =	rddreg [dreg:$0xf];
	[sflag:s12] =	ssyncadd.s32 $0xFFFFEC00  }
0x4c: {  	[spmem:s25] =	stream.linear.scatter [tilespmem:s9], [sflag:$0x8], $0x1400, $0x38;
	[tilespmem:$0x1FEA0] =	vst v63  }
0x4d: {  	_ =	swait.ge [sflag:s12], $0x1400  }
0x4e: {  	[sflag:s12] =	ssyncset.done $0x0  }
0x4f: {  	s26 =	rddreg [dreg:$0x10];
	[sflag:s12] =	ssyncadd.s32 $0xFFFFEC00  }
0x50: {  	[spmem:s26] =	stream.linear.scatter [tilespmem:s9], [sflag:$0x8], $0x1400, $0x38;
	[tilespmem:$0x1FEA0] =	vst v63  }
0x51: {  	_ =	swait.ge [sflag:s12], $0x1400  }
0x52: {  	[sflag:s12] =	ssyncset.done $0x0  }
0x53: {  	s31 =	rddreg [dreg:$0x11];
	[sflag:s12] =	ssyncadd.s32 $0xFFFFEC00  }
0x54: {  	[spmem:s31] =	stream.linear.scatter [tilespmem:s9], [sflag:$0x8], $0x1400, $0x38;
	[tilespmem:$0x1FEA0] =	vst v63  }
0x55: {  	_ =	swait.ge [sflag:s12], $0x1400  }
0x56: {  	[sflag:s12] =	ssyncset.done $0x0  }
0x57: {  	s11 =	rddreg [dreg:$0x12];
	[sflag:s12] =	ssyncadd.s32 $0xFFFFEC00  }
0x58: {  	[spmem:s11] =	stream.linear.scatter [tilespmem:s9], [sflag:$0x8], $0x1400, $0x38;
	[tilespmem:$0x1FEA0] =	vst v63  }
0x59: {  	_ =	swait.ge [sflag:s12], $0x1400  }
0x5a: {  	[sflag:s12] =	ssyncset.done $0x0  }
0x5b: {  	s18 =	rddreg [dreg:$0x13];
	[sflag:s12] =	ssyncadd.s32 $0xFFFFEC00  }
0x5c: {  	[spmem:s18] =	stream.linear.scatter [tilespmem:s9], [sflag:$0x8], $0x1400, $0x38;
	[tilespmem:$0x1FEA0] =	vst v63  }
0x5d: {  	_ =	swait.ge [sflag:s12], $0x1400  }
0x5e: {  	[sflag:s12] =	ssyncset.done $0x0  }
0x5f: {  	s19 =	rddreg [dreg:$0x14];
	[sflag:s12] =	ssyncadd.s32 $0xFFFFEC00  }
0x60: {  	[spmem:s19] =	stream.linear.scatter [tilespmem:s9], [sflag:$0x8], $0x1400, $0x38;
	[tilespmem:$0x1FEA0] =	vst v63  }
0x61: {  	_ =	swait.ge [sflag:s12], $0x1400  }
0x62: {  	[sflag:s12] =	ssyncset.done $0x0  }
0x63: {  	s20 =	rddreg [dreg:$0x1f];
	[sflag:s12] =	ssyncadd.s32 $0xFFFFEC00  }
0x64: {  	[spmem:s20] =	stream.linear.scatter [tilespmem:s9], [sflag:$0x8], $0x1400, $0x38;
	[tilespmem:$0x1FEA0] =	vst v63  }
0x65: {  	_ =	swait.ge [sflag:s12], $0x1400  }
0x66: {  	[sflag:s12] =	ssyncset.done $0x0  }
0x67: {  	[sflag:s12] =	ssyncadd.s32 $0xFFFFEC00  }
0x68: {  	[spmem:s2] =	stream.linear.scatter [tilespmem:s9], [sflag:$0x8], $0x1400, $0x38;
	[tilespmem:$0x1FEA0] =	vst v63  }
0x69: {  	_ =	swait.ge [sflag:s12], $0x1400  }
0x6a: {  	[sflag:s12] =	ssyncset.done $0x0  }
0x6b: {  	[sflag:s12] =	ssyncadd.s32 $0xFFFFEC00  }
0x6c: {  	[spmem:s3] =	stream.linear.scatter [tilespmem:s9], [sflag:$0x8], $0x1400, $0x38;
	[tilespmem:$0x1FEA0] =	vst v63  }
0x6d: {  	_ =	swait.ge [sflag:s12], $0x1400  }
0x6e: {  	[sflag:s12] =	ssyncset.done $0x0  }
0x6f: {  	[sflag:s12] =	ssyncadd.s32 $0xFFFFEC00  }
0x70: {  	[spmem:s4] =	stream.linear.scatter [tilespmem:s9], [sflag:$0x8], $0x1400, $0x38;
	[tilespmem:$0x1FEA0] =	vst v63  }
0x71: {  	_ =	swait.ge [sflag:s12], $0x1400  }
0x72: {  	[sflag:s12] =	ssyncset.done $0x0  }
0x73: {  	[sflag:s12] =	ssyncadd.s32 $0xFFFFEC00  }
0x74: {  	[spmem:s5] =	stream.linear.scatter [tilespmem:s9], [sflag:$0x8], $0x1400, $0x38;
	[tilespmem:$0x1FEA0] =	vst v63  }
0x75: {  	_ =	swait.ge [sflag:s12], $0x1400  }
0x76: {  	[sflag:s12] =	ssyncset.done $0x0  }
0x77: {  	[sflag:s12] =	ssyncadd.s32 $0xFFFFEC00  }
0x78: {  	[spmem:s6] =	stream.linear.scatter [tilespmem:s9], [sflag:$0x8], $0x1400, $0x38;
	[tilespmem:$0x1FEA0] =	vst v63  }
0x79: {  	_ =	swait.ge [sflag:s12], $0x1400  }
0x7a: {  	[sflag:s12] =	ssyncset.done $0x0  }
0x7b: {  	[sflag:s12] =	ssyncadd.s32 $0xFFFFEC00  }
0x7c: {  	[spmem:s7] =	stream.linear.scatter [tilespmem:s9], [sflag:$0x8], $0x1400, $0x38;
	[tilespmem:$0x1FEA0] =	vst v63  }
0x7d: {  	_ =	swait.ge [sflag:s12], $0x1400  }
0x7e: {  	[sflag:s12] =	ssyncset.done $0x0  }
0x7f: {  	s18 =	simm.s32 @!p0 $0x4E20;
	[sflag:s12] =	ssyncadd.s32 $0xFFFFEC00  }
0x80: {  	[spmem:s8] =	stream.linear.scatter @!p0 [tilespmem:s18], [sflag:$0x8], $0x1400, $0x38;
	[tilespmem:$0x1FEA0] =	vst v63  }
0x81: {  	s18 =	simm.s32 @!p0 $0x8  }
0x82: {  	_ =	swait.ge @!p0 [sflag:s18], $0x1400  }
0x83: {  	[sflag:s18] =	ssyncset.done @!p0 $0x0  }
0x84: {  	[sflag:s18] =	ssyncadd.s32 @!p0 $0xFFFFEC00  }
0x85: {  	[bflag:$0x0] =	sbarrier.arrive $0xFFFF  }
0x86: {  	s21 =	rddreg [dreg:$0x15]  }
0x87: {  	[tilespmem:s1], [sflag:$0x8] =	stream.linear.gather [hbm4b:s21+s1], $0x2710, $0x38;
	[tilespmem:$0x1FEA0] =	vst v63  }
0x88: {  	_ =	swait.ge [sflag:s12], $0x2710  }
0x89: {  	[sflag:s12] =	ssyncset.done $0x0  }
0x8a: {  	s11 =	simm.s32 $0x2710;
	s22 =	rddreg [dreg:$0x5];
	[sflag:s12] =	ssyncadd.s32 $0xFFFFD8F0  }
0x8b: {  	[tilespmem:s11], [sflag:$0x8] =	stream.linear.gather [hbm4b:s22+s1], $0x2710, $0x38;
	[tilespmem:$0x1FEA0] =	vst v63  }
0x8c: {  	_ =	swait.ge [sflag:s12], $0x2710  }
0x8d: {  	[sflag:s12] =	ssyncset.done $0x0  }
0x8e: {  	[sflag:s12] =	ssyncadd.s32 $0xFFFFD8F0  }
0x8f: {  	[tilespmem:s9], [sflag:$0x1] =	stream.indirect.gather [hbm4b:s10+s15], $0x80, s1, s15, $0xb8;
	[tilespmem:$0x1FEA0] =	vst v63  }
0x90: {  	s23 =	simm.s32 $0x6220  }
0x91: {  	[tilespmem:s23], [sflag:$0x2] =	stream.indirect.gather [hbm4b:s10+s15], $0x80, s15, s15, $0xb8;
	[tilespmem:$0x1FEA0] =	vst v63  }
0x92: {  	s24 =	simm.s32 $0x50;
	s25 =	simm.s32 $0x7620  }
0x93: {  	[tilespmem:s25], [sflag:$0x3] =	stream.indirect.gather [hbm4b:s10+s15], $0x80, s24, s15, $0xb8;
	[tilespmem:$0x1FEA0] =	vst v63  }
0x94: {  	s26 =	simm.s32 $0x78;
	s31 =	simm.s32 $0x8A20  }
0x95: {  	[tilespmem:s31], [sflag:$0x4] =	stream.indirect.gather [hbm4b:s10+s15], $0x80, s26, s15, $0xb8;
	[tilespmem:$0x1FEA0] =	vst v63  }
0x96: {  	s19 =	simm.s32 $0x9E20;
	s20 =	simm.s32 $0x0;
	s18 =	simm.s32 $0xA0  }
0x97: {  	[tilespmem:s19], [sflag:$0x5] =	stream.indirect.gather [hbm4b:s10+s15], $0x80, s18, s15, $0xb8;
	[tilespmem:$0x1FEA0] =	vst v63  }
0x98: {  	s18 =	smul.u32 $0xAB, s20;
	_ =	sdelay $0x1  }
0x99: {  	s19 =	simm.s32 $0x1;
	s18 =	sshrl.u32 s18, $0xA  }
0x9a: {  	p2 =	por $0x0, $0x0;
	s19 =	smul.u32 $0xAB, s19;
	s18 =	sand.u32 $0x3F, s18  }
0x9b: {  	s21 =	simm.s32 $0xC8;
	s22 =	simm.s32 $0xB220;
	s18 =	smul.u32 $0x6, s18  }
0x9c: {  	[tilespmem:s22], [sflag:$0x6] =	stream.indirect.gather [hbm4b:s10+s15], $0x80, s21, s15, $0xb8;
	[tilespmem:$0x1FEA0] =	vst v63  }
0x9d: {  	s28 =	simm.s32 $0x3;
	s30 =	simm.s32 @!p2 $0xF0;
	s18 =	ssub.s32 $0x0, s18  }
0x9e: {  	s28 =	smul.u32 $0xAB, s28;
	s23 =	sshrl.u32 s19, $0xA;
	s20 =	sand.u32 $0xFF, s18  }
0x9f: {  	s11 =	simm.s32 $0x2710;
	s18 =	sand.u32 $0x3F, s23;
	s24 =	smul.u32 $0x5000, s20  }
0xa0: {  	s26 =	simm.s32 $0x118;
	s21 =	smul.u32 $0x6, s18;
	s18 =	simm.s32 $0x2  }
0xa1: {  	s22 =	simm.s32 $0x2738;
	s23 =	smul.u32 $0xAB, s18;
	s19 =	sshrl.u32 s24, $0x2  }
0xa2: {  	s24 =	sadd.s32 $0x1, s20;
	s25 =	ssub.s32 $0x1, s21;
	s20 =	simm.s32 $0x2788  }
0xa3: {  	s19 =	sadd.s32 $0x4E20, s19;
	s31 =	sshrl.u32 s23, $0xA;
	_ =	swait.ge [sflag:s24], $0x1400  }
0xa4: {  	s23 =	sand.u32 $0xFF, s25;
	s0 =	sand.u32 $0x3F, s31;
	[sflag:s24] =	ssyncset.done $0x0  }
0xa5: {  	s25 =	smul.u32 $0x6, s0;
	[sflag:s24] =	ssyncadd.s32 $0xFFFFEC00;
	s0 =	sshrl.u32 s28, $0xA  }
0xa6: {  	[spmem:s13] =	stream.indirect.scatter.add.f32 [tilespmem:s19], [sflag:$0x7], $0x80, s11, s15, $0xb8;
	[tilespmem:$0x1FEA0] =	vst v63  }
0xa7: {  	s28 =	smul.u32 $0x5000, s23;
	s31 =	ssub.s32 $0x2, s25;
	_ =	swait.ge [sflag:s16], $0x1400  }
0xa8: {  	s25 =	simm.s32 @!p2 $0x28;
	s21 =	sand.u32 $0xFF, s31;
	[sflag:s16] =	ssyncset.done $0x0  }
0xa9: {  	s28 =	sshrl.u32 s28, $0x2;
	s29 =	smul.u32 $0x5000, s21;
	[sflag:s16] =	ssyncadd.s32 $0xFFFFEC00  }
0xaa: {  	[tilespmem:s19], [sflag:s24] =	stream.indirect.gather @!p2 [hbm4b:s10+s25], $0x80, s30, s25, $0xb8;
	[tilespmem:$0x1FEA0] =	vst v63  }
0xab: {  	s21 =	sadd.s32 $0x1, s21;
	s25 =	sadd.s32 $0x1, s23;
	s19 =	sand.u32 $0x3F, s0  }
0xac: {  	p2 =	por $0x0, $0x0;
	_ =	swait.ge [sflag:s25], $0x1400;
	s31 =	smul.u32 $0x6, s19  }
0xad: {  	s11 =	sshrl.u32 s29, $0x2;
	s19 =	simm.s32 $0x168;
	[sflag:s25] =	ssyncset.done $0x0  }
0xae: {  	s29 =	sadd.s32 $0x4E20, s28;
	s24 =	ssub.s32 $0x3, s31;
	[sflag:s25] =	ssyncadd.s32 $0xFFFFEC00  }
0xaf: {  	[spmem:s13] =	stream.indirect.scatter.add.f32 [tilespmem:s29], [sflag:$0x7], $0x80, s22, s15, $0xb8;
	[tilespmem:$0x1FEA0] =	vst v63  }
0xb0: {  	s30 =	simm.s32 @!p2 $0x28;
	s23 =	sadd.s32 $0x4E20, s11;
	s28 =	sand.u32 $0xFF, s24  }
0xb1: {  	s24 =	simm.s32 $0x2788;
	s22 =	simm.s32 $0x2;
	_ =	swait.ge [sflag:s16], $0x1400  }
.LBB2_4:
0xb2: {  	s20 =	sadd.s32 $0x50, s20  }
0xb3: {  	[sflag:s16] =	ssyncset.done $0x0;
	s31 =	smov.u32 s18;
	s18 =	sadd.s32 $0x2, s18  }
0xb4: {  	s0 =	sadd.s32 $0xFFFFFFD8, s24;
	s11 =	smul.u32 $0xAB, s18;
	[sflag:s16] =	ssyncadd.s32 $0xFFFFEC00  }
0xb5: {  	[tilespmem:s29], [sflag:s25] =	stream.indirect.gather @!p2 [hbm4b:s10+s30], $0x80, s26, s30, $0xb8;
	[tilespmem:$0x1FEA0] =	vst v63  }
0xb6: {  	s25 =	sadd.s32 $0x1, s28;
	s11 =	sshrl.u32 s11, $0xA;
	_ =	swait.ge [sflag:s21], $0x1400  }
0xb7: {  	p2 =	sgt.u32 s22, $0xF3;
	s11 =	sand.u32 $0x3F, s11;
	[sflag:s21] =	ssyncset.done $0x0  }
0xb8: {  	s26 =	simm.s32 @!p2 $0x28;
	s11 =	smul.u32 $0x6, s11;
	[sflag:s21] =	ssyncadd.s32 $0xFFFFEC00  }
0xb9: {  	[spmem:s13] =	stream.indirect.scatter.add.f32 [tilespmem:s23], [sflag:$0x7], $0x80, s0, s15, $0xb8;
	[tilespmem:$0x1FEA0] =	vst v63  }
0xba: {  	s0 =	ssub.s32 s18, s11;
	_ =	swait.ge [sflag:s16], $0x1400;
	s11 =	sadd.s32 @!p2 $0xFFFFFFD8, s19  }
0xbb: {  	s30 =	sadd.s32 $0x3, s31;
	s0 =	sand.u32 $0xFF, s0;
	[sflag:s16] =	ssyncset.done $0x0  }
0xbc: {  	s29 =	smul.u32 $0x5000, s0;
	s0 =	sadd.s32 $0x1, s0;
	[sflag:s16] =	ssyncadd.s32 $0xFFFFEC00  }
0xbd: {  	[tilespmem:s23], [sflag:s21] =	stream.indirect.gather @!p2 [hbm4b:s10+s26], $0x80, s11, s26, $0xb8;
	[tilespmem:$0x1FEA0] =	vst v63  }
0xbe: {  	s26 =	smul.u32 $0xAB, s30;
	s11 =	sshrl.u32 s29, $0x2;
	_ =	swait.ge [sflag:s25], $0x1400  }
0xbf: {  	p3 =	slt.u32 s18, $0xF8;
	s21 =	smov.u32 s0;
	s23 =	sadd.s32 $0x4E20, s11  }
0xc0: {  	s0 =	sshrl.u32 s26, $0xA;
	s11 =	smul.u32 $0x5000, s28;
	s26 =	smov.u32 s19  }
0xc1: {  	s0 =	sand.u32 $0x3F, s0  }
0xc2: {  	s19 =	sadd.s32 $0x50, s19;
	s0 =	smul.u32 $0x6, s0;
	s11 =	sshrl.u32 s11, $0x2  }
.Ltmp1:
0xc3: {  	s29 =	sadd.s32 $0x4E20, s11;
	[sflag:s25] =	ssyncset.done $0x0;
	(pc) =	sbr.rel @p3 .LBB2_4-.Ltmp1, $4  }
0xc4: {  	s0 =	ssub.s32 s30, s0;
	[sflag:s25] =	ssyncadd.s32 $0xFFFFEC00  }
0xc5: {  	p2 =	sgt.u32 s22, $0xF2;
	s22 =	smov.u32 s18;
	s28 =	sand.u32 $0xFF, s0  }
0xc6: {  	[spmem:s13] =	stream.indirect.scatter.add.f32 [tilespmem:s29], [sflag:$0x7], $0x80, s24, s15, $0xb8;
	[tilespmem:$0x1FEA0] =	vst v63  }
0xc7: {  	s30 =	simm.s32 @!p2 $0x28;
	s24 =	smov.u32 s20;
	_ =	swait.ge [sflag:s16], $0x1400  }
0xc8: {  	[sflag:s16] =	ssyncset.done $0x0  }
0xc9: {  	[sflag:s16] =	ssyncadd.s32 $0xFFFFEC00  }
0xca: {  	[tilespmem:s29], [sflag:s25] =	stream.indirect.gather @!p2 [hbm4b:s10+s30], $0x80, s26, s30, $0xb8;
	[tilespmem:$0x1FEA0] =	vst v63  }
0xcb: {  	_ =	swait.ge [sflag:s21], $0x1400  }
0xcc: {  	[sflag:s21] =	ssyncset.done $0x0  }
0xcd: {  	s0 =	sadd.s32 $0xFFFFFFD8, s24;
	[sflag:s21] =	ssyncadd.s32 $0xFFFFEC00  }
0xce: {  	[spmem:s13] =	stream.indirect.scatter.add.f32 [tilespmem:s23], [sflag:$0x7], $0x80, s0, s15, $0xb8;
	[tilespmem:$0x1FEA0] =	vst v63  }
0xcf: {  	_ =	swait.ge [sflag:s16], $0x1400  }
0xd0: {  	p2 =	sgt.u32 s22, $0xF3;
	[sflag:s16] =	ssyncset.done $0x0  }
0xd1: {  	s11 =	sadd.s32 @!p2 $0xFFFFFFD8, s19;
	s0 =	simm.s32 @!p2 $0x28;
	[sflag:s16] =	ssyncadd.s32 $0xFFFFEC00  }
0xd2: {  	[tilespmem:s23], [sflag:s21] =	stream.indirect.gather @!p2 [hbm4b:s10+s0], $0x80, s11, s0, $0xb8;
	[tilespmem:$0x1FEA0] =	vst v63  }
0xd3: {  	s0 =	sadd.s32 $0x1, s28;
	s28 =	smul.u32 $0x5000, s28  }
0xd4: {  	_ =	swait.ge [sflag:s0], $0x1400  }
0xd5: {  	s11 =	sshrl.u32 s28, $0x2;
	[sflag:s0] =	ssyncset.done $0x0  }
0xd6: {  	s11 =	sadd.s32 $0x4E20, s11;
	[sflag:s0] =	ssyncadd.s32 $0xFFFFEC00  }
0xd7: {  	[spmem:s13] =	stream.indirect.scatter.add.f32 [tilespmem:s11], [sflag:$0x7], $0x80, s24, s15, $0xb8;
	[tilespmem:$0x1FEA0] =	vst v63  }
0xd8: {  	_ =	swait.ge [sflag:s16], $0x1400  }
0xd9: {  	p2 =	sgt.u32 s22, $0xF2;
	[sflag:s16] =	ssyncset.done $0x0  }
0xda: {  	s18 =	simm.s32 @!p2 $0x28;
	[sflag:s16] =	ssyncadd.s32 $0xFFFFEC00  }
0xdb: {  	[tilespmem:s11], [sflag:s0] =	stream.indirect.gather @!p2 [hbm4b:s10+s18], $0x80, s19, s18, $0xb8;
	[tilespmem:$0x1FEA0] =	vst v63  }
0xdc: {  	s29 =	stileid.u32;
	[bflag:$0x0] =	sbarrier.arrive $0xFFFF  }
0xdd: {  	s0 =	sshll.u32 s29, $0x6;
	s30 =	rddreg [dreg:$0x6]  }
0xde: {  	s0 =	sor.u32 $0x1C08, s0;
	s31 =	rddreg [dreg:$0x17]  }
0xdf: {  	[hbm:s30], [sflag:s0] =	dma.local [spmem:s31], $0x500  }
0xe0: {  	_ =	swait.ge [sflag:s12], $0x500  }
0xe1: {  	[sflag:s12] =	ssyncset.done $0x0;
	s18 =	rddreg [dreg:$0x7]  }
0xe2: {  	s19 =	rddreg [dreg:$0x18];
	[sflag:s12] =	ssyncadd.s32 $0xFFFFFB00  }
0xe3: {  	[hbm:s18], [sflag:s0] =	dma.local [spmem:s19], $0x500  }
0xe4: {  	_ =	swait.ge [sflag:s12], $0x500  }
0xe5: {  	[sflag:s12] =	ssyncset.done $0x0;
	s20 =	rddreg [dreg:$0x8]  }
0xe6: {  	s21 =	rddreg [dreg:$0x19];
	[sflag:s12] =	ssyncadd.s32 $0xFFFFFB00  }
0xe7: {  	[hbm:s20], [sflag:s0] =	dma.local [spmem:s21], $0x500  }
0xe8: {  	_ =	swait.ge [sflag:s12], $0x500  }
0xe9: {  	[sflag:s12] =	ssyncset.done $0x0;
	s22 =	rddreg [dreg:$0x9]  }
0xea: {  	s23 =	rddreg [dreg:$0x1a];
	[sflag:s12] =	ssyncadd.s32 $0xFFFFFB00  }
0xeb: {  	[hbm:s22], [sflag:s0] =	dma.local [spmem:s23], $0x500  }
0xec: {  	_ =	swait.ge [sflag:s12], $0x500  }
0xed: {  	[sflag:s12] =	ssyncset.done $0x0;
	s24 =	rddreg [dreg:$0xa]  }
0xee: {  	s25 =	rddreg [dreg:$0x1b];
	[sflag:s12] =	ssyncadd.s32 $0xFFFFFB00  }
0xef: {  	[hbm:s24], [sflag:s0] =	dma.local [spmem:s25], $0x500  }
0xf0: {  	_ =	swait.ge [sflag:s12], $0x500  }
0xf1: {  	[sflag:s12] =	ssyncset.done $0x0;
	s26 =	rddreg [dreg:$0xb]  }
0xf2: {  	s28 =	rddreg [dreg:$0x1c];
	[sflag:s12] =	ssyncadd.s32 $0xFFFFFB00  }
0xf3: {  	[hbm:s26], [sflag:s0] =	dma.local [spmem:s28], $0x500  }
0xf4: {  	_ =	swait.ge [sflag:s12], $0x500  }
0xf5: {  	[sflag:s12] =	ssyncset.done $0x0;
	s29 =	rddreg [dreg:$0xc]  }
0xf6: {  	s30 =	rddreg [dreg:$0x1d];
	[sflag:s12] =	ssyncadd.s32 $0xFFFFFB00  }
0xf7: {  	[hbm:s29], [sflag:s0] =	dma.local [spmem:s30], $0x500  }
0xf8: {  	_ =	swait.ge [sflag:s12], $0x500  }
0xf9: {  	[sflag:s12] =	ssyncset.done $0x0;
	s11 =	rddreg [dreg:$0xd]  }
0xfa: {  	s18 =	rddreg [dreg:$0x1e];
	[sflag:s12] =	ssyncadd.s32 $0xFFFFFB00  }
0xfb: {  	[hbm:s11], [sflag:s0] =	dma.local @!p1 [spmem:s18], $0x500  }
0xfc: {  	s0 =	simm.s32 @!p1 $0x8  }
0xfd: {  	_ =	swait.ge @!p1 [sflag:s0], $0x500  }
0xfe: {  	s17 =	sadd.s32 $0x1, s17;
	s31 =	rddreg [dreg:$0x16]  }
0xff: {  	p2 =	sne.s32 s17, s31  }
.Ltmp2:
0x100: {  	_ = 	snop;
	(pc) =	sbr.rel @p2 .LBB2_1-.Ltmp2, $3  }
0x101: {  	_ =	sdelay $0x1  }
0x102: {  	[sflag:s0] =	ssyncset.done @!p1 $0x0  }
0x103: {  	[sflag:s0] =	ssyncadd.s32 @!p1 $0xFFFFFB00  }
0x104: {  	_ =	sfence.sel $0x180000  }
0x105: {  	[bflag:$0x0] =	sbarrier.arrive $0xFFFF  }
0x106: {  	_ =	strace $0x90000047  }
0x107: {  	s0 =	stileid.u32;
	[bflag:$0x2] =	sbarrier.arrive $0xFFFF  }
0x108: {  	p0 =	sne.s32 s0, $0x0;
	s0 =	rddreg [dreg:$0x4]  }
0x109: {  	s0 =	sadd.s32 @!p0 $0x100000, s0  }
0x10a: {  	[sflag:s0] =	ssyncadd.tile.s32 @!p0 $0x1;
	_ =	shalt  }
.Lfunc_end2:
_tile_overlayer_lowered:
.L_overlay_start_2:
0x10b: {  	(tag) =	ssettag $0x2  }
0x10c: {  	s0 =	rddreg [dreg:$0x0];
	s2 =	stileid.u32  }
0x10d: {  	s1 =	rddreg [dreg:$0x1];
	p0 =	sne.s32 s2, $0x0  }
0x10e: {  	s3 =	rddreg [dreg:$0x2];
	[bflag:$0x3] =	sbarrier.arrive $0xFFFF;
	s2 =	simm.s32 @!p0 $0x1C08  }
0x10f: {  	[timem:s3], [sflag:s2] =	dma.local @!p0 [hbm:s0], s1  }
0x110: {  	s0 =	simm.s32 @!p0 $0x8  }
0x111: {  	_ =	swait.ge @!p0 [sflag:s0], s1  }
0x112: {  	s1 =	ssub.s32 @!p0 $0x0, s1;
	[sflag:s0] =	ssyncset.done @!p0 $0x0  }
0x113: {  	[sflag:s0] =	ssyncadd.s32 @!p0 s1  }
0x114: {  	[bflag:$0x3] =	sbarrier.arrive $0xFFFF  }
0x115: {  	_ =	shalt  }

</sc_bundles>
